<compile_context>
chip_gen: v7x
topology: tpu7x:2x2x1
jax: 0.10.2.dev20260603
libtpu: 0.0.44.dev20260713+nightly
codegen_flags: <defaults>
</compile_context>

<pallas_src>
import functools

import jax
import jax.numpy as jnp
from jax import lax
from jax.experimental import pallas as pl
from jax.experimental.pallas import tpu as pltpu
from jax.experimental.pallas import tpu_sc as plsc

B, N, M, S, C = 8, 2048, 2048, 16, 64
T = B * N * S
T4 = B * N
EPS = 1e-5
F = 128
F4 = 256

NT = 256


def _knn_body(p1t_ref, p2_ref, idx_ref):
    b = pl.program_id(0)
    p1t = p1t_ref[0]
    p2 = p2_ref[0]
    prod = jax.lax.dot_general(
        p1t.astype(jnp.bfloat16), p2.astype(jnp.bfloat16),
        (((1,), (0,)), ((), ())),
        preferred_element_type=jnp.float32)
    d = (jnp.sum(p1t * p1t, axis=1, keepdims=True) - 2.0 * prod
         + jnp.sum(p2 * p2, axis=0, keepdims=True))
    iota = lax.broadcasted_iota(jnp.int32, (NT, M), 1)
    cols = []
    for _ in range(S):
        dmin = jnp.min(d, axis=1, keepdims=True)
        imin = jnp.min(jnp.where(d == dmin, iota, M), axis=1, keepdims=True)
        cols.append(imin)
        d = jnp.where(iota == imin, jnp.inf, d)
    idx_ref[0] = jnp.concatenate(cols, axis=1) + b * M


def _knn(pos1_t, pos2):
    return pl.pallas_call(
        _knn_body,
        grid=(B, N // NT),
        in_specs=[
            pl.BlockSpec((1, NT, 3), lambda b, i: (b, i, 0)),
            pl.BlockSpec((1, 3, M), lambda b, i: (b, 0, 0)),
        ],
        out_specs=pl.BlockSpec((1, NT, S), lambda b, i: (b, i, 0)),
        out_shape=jax.ShapeDtypeStruct((B, N, S), jnp.int32),
    )(pos1_t, pos2)


def _g2h1_body(f2t_ref, p2t_ref, f1t_ref, p1t_ref, wf2_ref, wf1_ref, wp_ref,
               g2_ref, h1_ref):
    wp = wp_ref[...]
    g2_ref[0] = (jnp.dot(f2t_ref[0], wf2_ref[...],
                         preferred_element_type=jnp.float32)
                 + jnp.dot(p2t_ref[0], wp, preferred_element_type=jnp.float32))
    h1_ref[0] = (jnp.dot(f1t_ref[0], wf1_ref[...],
                         preferred_element_type=jnp.float32)
                 - jnp.dot(p1t_ref[0], wp, preferred_element_type=jnp.float32))


def _g2h1(f2t, p2t, f1t, p1t, wf2, wf1, wp):
    return pl.pallas_call(
        _g2h1_body,
        grid=(B,),
        in_specs=[
            pl.BlockSpec((1, M, C), lambda b: (b, 0, 0)),
            pl.BlockSpec((1, M, 3), lambda b: (b, 0, 0)),
            pl.BlockSpec((1, N, C), lambda b: (b, 0, 0)),
            pl.BlockSpec((1, N, 3), lambda b: (b, 0, 0)),
            pl.BlockSpec((C, F), lambda b: (0, 0)),
            pl.BlockSpec((C, F), lambda b: (0, 0)),
            pl.BlockSpec((3, F), lambda b: (0, 0)),
        ],
        out_specs=[
            pl.BlockSpec((1, M, F), lambda b: (b, 0, 0)),
            pl.BlockSpec((1, N, F), lambda b: (b, 0, 0)),
        ],
        out_shape=[
            jax.ShapeDtypeStruct((B, M, F), jnp.float32),
            jax.ShapeDtypeStruct((B, N, F), jnp.float32),
        ],
    )(f2t, p2t, f1t, p1t, wf2, wf1, wp)


NC, NS = 2, 16
NW = NC * NS
TPW = T // NW
KCH = 128
NCH = TPW // KCH


def _sc_gather_body(table_hbm, idx_hbm, out_hbm, idx_v, rows_v, sem):
    wid = lax.axis_index("s") * NC + lax.axis_index("c")
    base = wid * TPW

    def chunk(j, carry):
        off = base + j * KCH
        pltpu.sync_copy(idx_hbm.at[pl.ds(off, KCH)], idx_v)
        pltpu.async_copy(table_hbm.at[idx_v], rows_v, sem).wait()
        pltpu.sync_copy(rows_v, out_hbm.at[pl.ds(off, KCH)])
        return carry

    lax.fori_loop(0, NCH, chunk, 0)


def _sc_gather(table, gidx):
    kern = functools.partial(
        pl.kernel,
        out_type=jax.ShapeDtypeStruct((T, F), jnp.float32),
        mesh=plsc.VectorSubcoreMesh(core_axis_name="c", subcore_axis_name="s"),
        scratch_types=[
            pltpu.VMEM((KCH,), jnp.int32),
            pltpu.VMEM((KCH, F), jnp.float32),
            pltpu.SemaphoreType.DMA,
        ],
    )(_sc_gather_body)
    return kern(table, gidx)


RB = 2048


def _acc_stats(st_ref, z):
    s1 = jnp.sum(z, axis=0, keepdims=True)
    s2 = jnp.sum(z * z, axis=0, keepdims=True)
    acc = jnp.concatenate([s1, s2], axis=0)

    @pl.when(pl.program_id(0) == 0)
    def _():
        st_ref[...] = jnp.zeros_like(st_ref)

    st_ref[...] += acc


def _expand_h(h):
    return jnp.broadcast_to(h[:, None, :], (RB // S, S, F)).reshape(RB, F)


def _stats1_body(g_ref, h_ref, st_ref):
    z = g_ref[...] + _expand_h(h_ref[...])
    _acc_stats(st_ref, z)


def _stats1(rows, h1f):
    return pl.pallas_call(
        _stats1_body,
        grid=(T // RB,),
        in_specs=[
            pl.BlockSpec((RB, F), lambda i: (i, 0)),
            pl.BlockSpec((RB // S, F), lambda i: (i, 0)),
        ],
        out_specs=pl.BlockSpec((2, F), lambda i: (0, 0)),
        out_shape=jax.ShapeDtypeStruct((2, F), jnp.float32),
    )(rows, h1f)


def _layer2_body(g_ref, h_ref, ss_ref, w_ref, z_ref, st_ref):
    z1 = g_ref[...] + _expand_h(h_ref[...])
    x = jnp.maximum(z1 * ss_ref[0:1, :] + ss_ref[1:2, :], 0.0)
    z2 = jnp.dot(x, w_ref[...], preferred_element_type=jnp.float32)
    z_ref[...] = z2
    _acc_stats(st_ref, z2)


def _layer2(rows, h1f, ss, wt):
    return pl.pallas_call(
        _layer2_body,
        grid=(T // RB,),
        in_specs=[
            pl.BlockSpec((RB, F), lambda i: (i, 0)),
            pl.BlockSpec((RB // S, F), lambda i: (i, 0)),
            pl.BlockSpec((2, F), lambda i: (0, 0)),
            pl.BlockSpec((F, F), lambda i: (0, 0)),
        ],
        out_specs=[
            pl.BlockSpec((RB, F), lambda i: (i, 0)),
            pl.BlockSpec((2, F), lambda i: (0, 0)),
        ],
        out_shape=[
            jax.ShapeDtypeStruct((T, F), jnp.float32),
            jax.ShapeDtypeStruct((2, F), jnp.float32),
        ],
    )(rows, h1f, ss, wt)


def _layer3_body(z_ref, ss_ref, w_ref, zo_ref, st_ref):
    x = jnp.maximum(z_ref[...] * ss_ref[0:1, :] + ss_ref[1:2, :], 0.0)
    z = jnp.dot(x, w_ref[...], preferred_element_type=jnp.float32)
    zo_ref[...] = z
    _acc_stats(st_ref, z)


def _layer3(zin, ss, wt):
    return pl.pallas_call(
        _layer3_body,
        grid=(T // RB,),
        in_specs=[
            pl.BlockSpec((RB, F), lambda i: (i, 0)),
            pl.BlockSpec((2, F), lambda i: (0, 0)),
            pl.BlockSpec((F, F), lambda i: (0, 0)),
        ],
        out_specs=[
            pl.BlockSpec((RB, F), lambda i: (i, 0)),
            pl.BlockSpec((2, F), lambda i: (0, 0)),
        ],
        out_shape=[
            jax.ShapeDtypeStruct((T, F), jnp.float32),
            jax.ShapeDtypeStruct((2, F), jnp.float32),
        ],
    )(zin, ss, wt)


def _layer4_body(z_ref, ss_ref, w_ref, zo_ref, st_ref):
    x = jnp.maximum(z_ref[...] * ss_ref[0:1, :] + ss_ref[1:2, :], 0.0)
    xm = jnp.max(x.reshape(RB // S, S, F), axis=1)
    z4 = jnp.dot(xm, w_ref[...], preferred_element_type=jnp.float32)
    zo_ref[...] = z4
    _acc_stats(st_ref, z4)


def _layer4(zin, ss, wt):
    return pl.pallas_call(
        _layer4_body,
        grid=(T // RB,),
        in_specs=[
            pl.BlockSpec((RB, F), lambda i: (i, 0)),
            pl.BlockSpec((2, F), lambda i: (0, 0)),
            pl.BlockSpec((F, F4), lambda i: (0, 0)),
        ],
        out_specs=[
            pl.BlockSpec((RB // S, F4), lambda i: (i, 0)),
            pl.BlockSpec((2, F4), lambda i: (0, 0)),
        ],
        out_shape=[
            jax.ShapeDtypeStruct((T4, F4), jnp.float32),
            jax.ShapeDtypeStruct((2, F4), jnp.float32),
        ],
    )(zin, ss, wt)


RN = 512


def _final_body(z_ref, ss_ref, out_ref):
    y = jnp.maximum(z_ref[...] * ss_ref[0:1, :] + ss_ref[1:2, :], 0.0)
    out_ref[0] = y.T


def _final(z4, ss):
    return pl.pallas_call(
        _final_body,
        grid=(B, N // RN),
        in_specs=[
            pl.BlockSpec((RN, F4), lambda b, j: (b * (N // RN) + j, 0)),
            pl.BlockSpec((2, F4), lambda b, j: (0, 0)),
        ],
        out_specs=pl.BlockSpec((1, F4, RN), lambda b, j: (b, 0, j)),
        out_shape=jax.ShapeDtypeStruct((B, F4, N), jnp.float32),
    )(z4, ss)


def _scale_shift(stats, g, b, count):
    mean = stats[0] / count
    var = stats[1] / count - mean * mean
    scale = g / jnp.sqrt(var + EPS)
    return jnp.stack([scale, b - mean * scale])


def kernel(pos1, pos2, feature1, feature2,
           W0, g0, b0, W1, g1, b1, W2, g2, b2, W3, g3, b3):
    pos1_t = jnp.transpose(pos1, (0, 2, 1))
    pos2_t = jnp.transpose(pos2, (0, 2, 1))
    f1t = jnp.transpose(feature1, (0, 2, 1))
    f2t = jnp.transpose(feature2, (0, 2, 1))
    wp = jnp.transpose(W0[:, :3])
    wf2 = jnp.transpose(W0[:, 3:3 + C])
    wf1 = jnp.transpose(W0[:, 3 + C:])

    gidx = _knn(pos1_t, pos2)
    g2t, h1 = _g2h1(f2t, pos2_t, f1t, pos1_t, wf2, wf1, wp)

    rows = _sc_gather(g2t.reshape(B * M, F), gidx.reshape(T))
    h1f = h1.reshape(T4, F)

    st1 = _stats1(rows, h1f)
    ss1 = _scale_shift(st1, g0, b0, jnp.float32(T))
    z2, st2 = _layer2(rows, h1f, ss1, jnp.transpose(W1))
    ss2 = _scale_shift(st2, g1, b1, jnp.float32(T))
    z3, st3 = _layer3(z2, ss2, jnp.transpose(W2))
    ss3 = _scale_shift(st3, g2, b2, jnp.float32(T))
    z4, st4 = _layer4(z3, ss3, jnp.transpose(W3))
    ss4 = _scale_shift(st4, g3, b3, jnp.float32(T4))
    return _final(z4, ss4)

# --- scband reference (transcript-rebuilt; emitter-appended) ---
"""Pipeline reference for scband-pos-refine-12146167513433 (READ-ONLY COPY).

The authoritative reference and input builder live on the scoring server;
editing this copy changes nothing except your own understanding.
"""

import jax, jax.numpy as jnp
import numpy as np

B, N, M, S, C = 8, 2048, 2048, 16, 64
MLP = [128, 128, 128]
MLP2 = [256]
EPS = 1e-5


def setup_inputs(seed: int = 0) -> dict:
    key = jax.random.key(seed)
    ks = jax.random.split(key, 16)
    inp = {}
    inp["pos1"] = jax.random.normal(ks[0], (B, 3, N), dtype=jnp.float32)
    inp["pos2"] = jax.random.normal(ks[1], (B, 3, M), dtype=jnp.float32)
    inp["feature1"] = jax.random.normal(ks[2], (B, C, N), dtype=jnp.float32)
    inp["feature2"] = jax.random.normal(ks[3], (B, C, M), dtype=jnp.float32)
    # first MLP input channels: pos_diff(3) + feat2_grouped(C) + feature1(C)
    c_in = 2 * C + 3
    ki = 4
    idx = 0
    for co in MLP:
        inp[f"W{idx}"] = jax.random.normal(ks[ki], (co, c_in), dtype=jnp.float32) * (1.0 / np.sqrt(c_in))
        inp[f"g{idx}"] = jnp.ones((co,), dtype=jnp.float32)
        inp[f"b{idx}"] = jnp.zeros((co,), dtype=jnp.float32)
        c_in = co
        ki += 1
        idx += 1
    for co in MLP2:
        inp[f"W{idx}"] = jax.random.normal(ks[ki], (co, c_in), dtype=jnp.float32) * (1.0 / np.sqrt(c_in))
        inp[f"g{idx}"] = jnp.ones((co,), dtype=jnp.float32)
        inp[f"b{idx}"] = jnp.zeros((co,), dtype=jnp.float32)
        c_in = co
        ki += 1
        idx += 1
    return inp


def _group(feat, idx):
    # feat: [B, C, M], idx: [B, N, S] -> [B, C, N, S]
    return jax.vmap(lambda f, i: f[:, i])(feat, idx)


def _bn2d(x, g, b):
    mean = jnp.mean(x, axis=(0, 2, 3), keepdims=True)
    var = jnp.var(x, axis=(0, 2, 3), keepdims=True)
    return (x - mean) / jnp.sqrt(var + EPS) * g[None, :, None, None] + b[None, :, None, None]


def _bn1d(x, g, b):
    mean = jnp.mean(x, axis=(0, 2), keepdims=True)
    var = jnp.var(x, axis=(0, 2), keepdims=True)
    return (x - mean) / jnp.sqrt(var + EPS) * g[None, :, None] + b[None, :, None]


def reference(pos1, pos2, feature1, feature2, W0, g0, b0, W1, g1, b1, W2, g2, b2, W3, g3, b3):
    pos1_t = jnp.transpose(pos1, (0, 2, 1))  # [B, N, 3]
    pos2_t = jnp.transpose(pos2, (0, 2, 1))  # [B, M, 3]
    # knn: for each point in pos1, nsample nearest neighbors in pos2 (squared L2)
    d = (jnp.sum(pos1_t ** 2, axis=-1, keepdims=True)
         - 2.0 * jnp.einsum('bnc,bmc->bnm', pos1_t, pos2_t)
         + jnp.sum(pos2_t ** 2, axis=-1)[:, None, :])  # [B, N, M]
    _, idx = jax.lax.top_k(-d, S)  # [B, N, S]
    pos2_grouped = _group(pos2, idx)  # [B, 3, N, S]
    pos_diff = pos2_grouped - pos1[:, :, :, None]  # [B, 3, N, S]
    feat2_grouped = _group(feature2, idx)  # [B, C, N, S]
    feat1_rep = jnp.broadcast_to(feature1[:, :, :, None], (feature1.shape[0], feature1.shape[1], feature1.shape[2], S))
    feat_diff = jnp.concatenate([feat2_grouped, feat1_rep], axis=1)  # [B, 2C, N, S]
    x = jnp.concatenate([pos_diff, feat_diff], axis=1)  # [B, 2C+3, N, S]
    for W, g, b in ((W0, g0, b0), (W1, g1, b1), (W2, g2, b2)):
        x = jnp.einsum('oc,bcns->bons', W, x)
        x = jax.nn.relu(_bn2d(x, g, b))
    x = jnp.max(x, axis=-1)  # [B, mlp[-1], N]
    for W, g, b in ((W3, g3, b3),):
        x = jnp.einsum('oc,bcn->bon', W, x)
        x = jax.nn.relu(_bn1d(x, g, b))
    return x

if __name__ == "__main__":
    import jax
    _d = setup_inputs()
    print(jax.jit(kernel)(*tuple(_d.values())))

</pallas_src>

<mosaic_0001>
#map = affine_map<(d0, d1) -> (0, 0)>
#map1 = affine_map<(d0, d1) -> (0)>
module attributes {stable_mosaic.version = 14 : i64} {
  func.func @_sc_gather_body(%arg0: i32, %arg1: i32, %arg2: memref<16384x128xf32, #tpu.memory_space<hbm>>, %arg3: memref<262144xi32, #tpu.memory_space<hbm>>, %arg4: memref<262144x128xf32, #tpu.memory_space<hbm>>, %arg5: memref<128xi32, #tpu.memory_space<vmem>>, %arg6: memref<128x128xf32, #tpu.memory_space<vmem>>, %arg7: memref<!tpu.dma_semaphore, #tpu.memory_space<semaphore_mem>>) attributes {dimension_semantics = [#tpu.dimension_semantics<core_parallel>, #tpu.dimension_semantics<subcore_parallel>], iteration_bounds = array<i64: 2, 16>, scalar_prefetch = 0 : i64, scratch_operands = 3 : i64, tpu.core_type = #tpu.core_type<sc_vector_subcore>, window_params = [{transform_indices = #map}, {transform_indices = #map1}, {transform_indices = #map}]} {
    %mul3A = arith.constant 2 : i32
    %mul3A_0 = arith.muli %arg1, %mul3A : i32
    %add3A = arith.addi %mul3A_0, %arg0 : i32
    %mul3A_1 = arith.constant 8192 : i32
    %mul3A_2 = arith.muli %add3A, %mul3A_1 : i32
    %scan3A = arith.constant 0 : i32
    %scan3A_3 = arith.constant 0 : i32
    %scan3A_4 = arith.constant 64 : i32
    %scan3A_5 = arith.addi %scan3A_3, %scan3A_4 : i32
    %scan3A_6 = arith.constant 1 : i32
    scf.for %scan3A_8 = %scan3A_3 to %scan3A_5 step %scan3A_6  : i32 {
      %mul3A_9 = arith.constant 128 : i32
      %mul3A_10 = arith.muli %scan3A_8, %mul3A_9 : i32
      %add3A_11 = arith.addi %mul3A_2, %mul3A_10 : i32
      "tpu.region"() ({
        %run_scoped3A = tpu.sem_alloc : memref<!tpu.dma_semaphore, #tpu.memory_space<semaphore_mem>>
        %dma_start3A_16 = tpu.memref_slice %arg3[%add3A_11] : memref<262144xi32, #tpu.memory_space<hbm>> -> memref<128xi32, #tpu.memory_space<hbm>>
        %dma_start3A_17 = tpu.memref_slice %arg3[%add3A_11] : memref<262144xi32, #tpu.memory_space<hbm>> -> memref<128xi32, #tpu.memory_space<hbm>>
        tpu.enqueue_dma source(%dma_start3A_17 : memref<128xi32, #tpu.memory_space<hbm>>) target(%arg5 : memref<128xi32, #tpu.memory_space<vmem>>) target_semaphore(%run_scoped3A : memref<!tpu.dma_semaphore, #tpu.memory_space<semaphore_mem>>)
        %dma_wait3A_18 = tpu.memref_slice %arg3[%add3A_11] : memref<262144xi32, #tpu.memory_space<hbm>> -> memref<128xi32, #tpu.memory_space<hbm>>
        %dma_wait3A_19 = tpu.memref_slice %arg3[%add3A_11] : memref<262144xi32, #tpu.memory_space<hbm>> -> memref<128xi32, #tpu.memory_space<hbm>>
        tpu.wait_dma2 semaphore(%run_scoped3A : memref<!tpu.dma_semaphore, #tpu.memory_space<semaphore_mem>>) src(%dma_wait3A_19 : memref<128xi32, #tpu.memory_space<hbm>>) dst(%arg5 : memref<128xi32, #tpu.memory_space<vmem>>)
        tpu.yield
      }) : () -> ()
      %dma_start3A = arith.constant 0 : i32
      %dma_start3A_12 = arith.constant 0 : i32
      %dma_start3A_13 = tpu.memref_slice %arg2[%dma_start3A, %dma_start3A_12] : memref<16384x128xf32, #tpu.memory_space<hbm>> -> memref<16384x128xf32, #tpu.memory_space<hbm>>
      tpu.enqueue_indirect_dma source(%dma_start3A_13 : memref<16384x128xf32, #tpu.memory_space<hbm>>) target(%arg6 : memref<128x128xf32, #tpu.memory_space<vmem>>) offsets(%arg5 : memref<128xi32, #tpu.memory_space<vmem>>) semaphore(%arg7 : memref<!tpu.dma_semaphore, #tpu.memory_space<semaphore_mem>>)
      %dma_wait3A = arith.constant 0 : i32
      %dma_wait3A_14 = arith.constant 0 : i32
      %dma_wait3A_15 = tpu.memref_slice %arg2[%dma_wait3A, %dma_wait3A_14] : memref<16384x128xf32, #tpu.memory_space<hbm>> -> memref<16384x128xf32, #tpu.memory_space<hbm>>
      tpu.wait_indirect_dma semaphore(%arg7 : memref<!tpu.dma_semaphore, #tpu.memory_space<semaphore_mem>>) src(%dma_wait3A_15 : memref<16384x128xf32, #tpu.memory_space<hbm>>) dst(%arg6 : memref<128x128xf32, #tpu.memory_space<vmem>>)
      "tpu.region"() ({
        %run_scoped3A = tpu.sem_alloc : memref<!tpu.dma_semaphore, #tpu.memory_space<semaphore_mem>>
        %dma_start3A_16 = arith.constant 0 : i32
        %dma_start3A_17 = tpu.memref_slice %arg4[%add3A_11, %dma_start3A_16] : memref<262144x128xf32, #tpu.memory_space<hbm>> -> memref<128x128xf32, #tpu.memory_space<hbm>>
        %dma_start3A_18 = arith.constant 0 : i32
        %dma_start3A_19 = tpu.memref_slice %arg4[%add3A_11, %dma_start3A_18] : memref<262144x128xf32, #tpu.memory_space<hbm>> -> memref<128x128xf32, #tpu.memory_space<hbm>>
        tpu.enqueue_dma source(%arg6 : memref<128x128xf32, #tpu.memory_space<vmem>>) target(%dma_start3A_19 : memref<128x128xf32, #tpu.memory_space<hbm>>) target_semaphore(%run_scoped3A : memref<!tpu.dma_semaphore, #tpu.memory_space<semaphore_mem>>)
        %dma_wait3A_20 = arith.constant 0 : i32
        %dma_wait3A_21 = tpu.memref_slice %arg4[%add3A_11, %dma_wait3A_20] : memref<262144x128xf32, #tpu.memory_space<hbm>> -> memref<128x128xf32, #tpu.memory_space<hbm>>
        %dma_wait3A_22 = arith.constant 0 : i32
        %dma_wait3A_23 = tpu.memref_slice %arg4[%add3A_11, %dma_wait3A_22] : memref<262144x128xf32, #tpu.memory_space<hbm>> -> memref<128x128xf32, #tpu.memory_space<hbm>>
        tpu.wait_dma2 semaphore(%run_scoped3A : memref<!tpu.dma_semaphore, #tpu.memory_space<semaphore_mem>>) src(%arg6 : memref<128x128xf32, #tpu.memory_space<vmem>>) dst(%dma_wait3A_23 : memref<128x128xf32, #tpu.memory_space<hbm>>)
        tpu.yield
      }) : () -> ()
    }
    %scan3A_7 = arith.constant 64 : i32
    return
  }
}

module attributes {stable_mosaic.version = 14 : i64} {
  func.func @_knn_body(%arg0: i32, %arg1: i32, %arg2: memref<1x256x3xf32, #tpu.memory_space<vmem>>, %arg3: memref<1x3x2048xf32, #tpu.memory_space<vmem>>, %arg4: memref<1x256x16xi32, #tpu.memory_space<vmem>>) attributes {dimension_semantics = [#tpu.dimension_semantics<arbitrary>, #tpu.dimension_semantics<arbitrary>], iteration_bounds = array<i64: 8, 8>, scalar_prefetch = 0 : i64, scratch_operands = 0 : i64, tpu.core_type = #tpu.core_type<tc>, window_params = [{transform_indices = @transform_0, window_bounds = array<i64: 1, 256, 3>}, {transform_indices = @transform_1, window_bounds = array<i64: 1, 3, 2048>}, {transform_indices = @transform_2, window_bounds = array<i64: 1, 256, 16>}]} {
    %get3A = arith.constant 0 : index
    %get3A_0 = arith.constant 0 : index
    %get3A_1 = arith.constant 0 : index
    %get3A_2 = vector.load %arg2[%get3A, %get3A_0, %get3A_1] : memref<1x256x3xf32, #tpu.memory_space<vmem>>, vector<1x256x3xf32>
    %get3A_3 = vector.shape_cast %get3A_2 : vector<1x256x3xf32> to vector<256x3xf32>
    %get3A_4 = arith.constant 0 : index
    %get3A_5 = arith.constant 0 : index
    %get3A_6 = arith.constant 0 : index
    %get3A_7 = vector.load %arg3[%get3A_4, %get3A_5, %get3A_6] : memref<1x3x2048xf32, #tpu.memory_space<vmem>>, vector<1x3x2048xf32>
    %get3A_8 = vector.shape_cast %get3A_7 : vector<1x3x2048xf32> to vector<3x2048xf32>
    %convert_element_type3A = arith.truncf %get3A_3 : vector<256x3xf32> to vector<256x3xbf16>
    %convert_element_type3A_9 = arith.truncf %get3A_8 : vector<3x2048xf32> to vector<3x2048xbf16>
    %dot_general3A = arith.constant dense<0.000000e+00> : vector<256x2048xf32>
    %dot_general3A_10 = tpu.matmul %convert_element_type3A, %convert_element_type3A_9, %dot_general3A {dimension_numbers = #tpu.dot_dimension_numbers<[1], [0], [0], [1], [0, 0, 1, 1], [], []>, transpose_lhs_hint = false} : vector<256x3xbf16>, vector<3x2048xbf16>, vector<256x2048xf32> -> vector<256x2048xf32>
    %mul3A = arith.mulf %get3A_3, %get3A_3 : vector<256x3xf32>
    %reduce_sum3A = arith.constant dense<0.000000e+00> : vector<256xf32>
    %reduce_sum3A_11 = vector.multi_reduction <add>, %mul3A, %reduce_sum3A [1] : vector<256x3xf32> to vector<256xf32>
    %broadcast_in_dim3A = vector.shape_cast %reduce_sum3A_11 : vector<256xf32> to vector<256x1xf32>
    %mul3A_12 = arith.constant 2.000000e+00 : f32
    %mul3A_13 = vector.broadcast %mul3A_12 : f32 to vector<256x2048xf32>
    %mul3A_14 = arith.mulf %mul3A_13, %dot_general3A_10 : vector<256x2048xf32>
    %sub3A = vector.broadcast %broadcast_in_dim3A : vector<256x1xf32> to vector<256x2048xf32>
    %sub3A_15 = arith.subf %sub3A, %mul3A_14 : vector<256x2048xf32>
    %mul3A_16 = arith.mulf %get3A_8, %get3A_8 : vector<3x2048xf32>
    %reduce_sum3A_17 = arith.constant dense<0.000000e+00> : vector<2048xf32>
    %reduce_sum3A_18 = vector.multi_reduction <add>, %mul3A_16, %reduce_sum3A_17 [0] : vector<3x2048xf32> to vector<2048xf32>
    %broadcast_in_dim3A_19 = vector.shape_cast %reduce_sum3A_18 : vector<2048xf32> to vector<1x2048xf32>
    %add3A = vector.broadcast %broadcast_in_dim3A_19 : vector<1x2048xf32> to vector<256x2048xf32>
    %add3A_20 = arith.addf %sub3A_15, %add3A : vector<256x2048xf32>
    %iota3A = tpu.iota {dimensions = array<i32: 1>} : vector<256x2048xi32>
    %reduce_min3A = arith.constant dense<0x7F800000> : vector<256xf32>
    %reduce_min3A_21 = vector.multi_reduction <minimumf>, %add3A_20, %reduce_min3A [1] : vector<256x2048xf32> to vector<256xf32>
    %broadcast_in_dim3A_22 = vector.shape_cast %reduce_min3A_21 : vector<256xf32> to vector<256x1xf32>
    %eq3A = vector.broadcast %broadcast_in_dim3A_22 : vector<256x1xf32> to vector<256x2048xf32>
    %eq3A_23 = arith.cmpf oeq, %add3A_20, %eq3A : vector<256x2048xf32>
    %jit3A = arith.constant 2048 : i32
    %broadcast_in_dim3A_24 = vector.broadcast %jit3A : i32 to vector<256x2048xi32>
    %select_n3A = arith.select %eq3A_23, %iota3A, %broadcast_in_dim3A_24 : vector<256x2048xi1>, vector<256x2048xi32>
    %reduce_min3A_25 = arith.constant dense<2147483647> : vector<256xi32>
    %reduce_min3A_26 = vector.multi_reduction <minsi>, %select_n3A, %reduce_min3A_25 [1] : vector<256x2048xi32> to vector<256xi32>
    %broadcast_in_dim3A_27 = vector.shape_cast %reduce_min3A_26 : vector<256xi32> to vector<256x1xi32>
    %eq3A_28 = vector.broadcast %broadcast_in_dim3A_27 : vector<256x1xi32> to vector<256x2048xi32>
    %eq3A_29 = arith.cmpi eq, %iota3A, %eq3A_28 : vector<256x2048xi32>
    %jit3A_30 = arith.constant 0x7F800000 : f32
    %broadcast_in_dim3A_31 = vector.broadcast %jit3A_30 : f32 to vector<256x2048xf32>
    %select_n3A_32 = arith.select %eq3A_29, %broadcast_in_dim3A_31, %add3A_20 : vector<256x2048xi1>, vector<256x2048xf32>
    %reduce_min3A_33 = arith.constant dense<0x7F800000> : vector<256xf32>
    %reduce_min3A_34 = vector.multi_reduction <minimumf>, %select_n3A_32, %reduce_min3A_33 [1] : vector<256x2048xf32> to vector<256xf32>
    %broadcast_in_dim3A_35 = vector.shape_cast %reduce_min3A_34 : vector<256xf32> to vector<256x1xf32>
    %eq3A_36 = vector.broadcast %broadcast_in_dim3A_35 : vector<256x1xf32> to vector<256x2048xf32>
    %eq3A_37 = arith.cmpf oeq, %select_n3A_32, %eq3A_36 : vector<256x2048xf32>
    %jit3A_38 = arith.constant 2048 : i32
    %broadcast_in_dim3A_39 = vector.broadcast %jit3A_38 : i32 to vector<256x2048xi32>
    %select_n3A_40 = arith.select %eq3A_37, %iota3A, %broadcast_in_dim3A_39 : vector<256x2048xi1>, vector<256x2048xi32>
    %reduce_min3A_41 = arith.constant dense<2147483647> : vector<256xi32>
    %reduce_min3A_42 = vector.multi_reduction <minsi>, %select_n3A_40, %reduce_min3A_41 [1] : vector<256x2048xi32> to vector<256xi32>
    %broadcast_in_dim3A_43 = vector.shape_cast %reduce_min3A_42 : vector<256xi32> to vector<256x1xi32>
    %eq3A_44 = vector.broadcast %broadcast_in_dim3A_43 : vector<256x1xi32> to vector<256x2048xi32>
    %eq3A_45 = arith.cmpi eq, %iota3A, %eq3A_44 : vector<256x2048xi32>
    %jit3A_46 = arith.constant 0x7F800000 : f32
    %broadcast_in_dim3A_47 = vector.broadcast %jit3A_46 : f32 to vector<256x2048xf32>
    %select_n3A_48 = arith.select %eq3A_45, %broadcast_in_dim3A_47, %select_n3A_32 : vector<256x2048xi1>, vector<256x2048xf32>
    %reduce_min3A_49 = arith.constant dense<0x7F800000> : vector<256xf32>
    %reduce_min3A_50 = vector.multi_reduction <minimumf>, %select_n3A_48, %reduce_min3A_49 [1] : vector<256x2048xf32> to vector<256xf32>
    %broadcast_in_dim3A_51 = vector.shape_cast %reduce_min3A_50 : vector<256xf32> to vector<256x1xf32>
    %eq3A_52 = vector.broadcast %broadcast_in_dim3A_51 : vector<256x1xf32> to vector<256x2048xf32>
    %eq3A_53 = arith.cmpf oeq, %select_n3A_48, %eq3A_52 : vector<256x2048xf32>
    %jit3A_54 = arith.constant 2048 : i32
    %broadcast_in_dim3A_55 = vector.broadcast %jit3A_54 : i32 to vector<256x2048xi32>
    %select_n3A_56 = arith.select %eq3A_53, %iota3A, %broadcast_in_dim3A_55 : vector<256x2048xi1>, vector<256x2048xi32>
    %reduce_min3A_57 = arith.constant dense<2147483647> : vector<256xi32>
    %reduce_min3A_58 = vector.multi_reduction <minsi>, %select_n3A_56, %reduce_min3A_57 [1] : vector<256x2048xi32> to vector<256xi32>
    %broadcast_in_dim3A_59 = vector.shape_cast %reduce_min3A_58 : vector<256xi32> to vector<256x1xi32>
    %eq3A_60 = vector.broadcast %broadcast_in_dim3A_59 : vector<256x1xi32> to vector<256x2048xi32>
    %eq3A_61 = arith.cmpi eq, %iota3A, %eq3A_60 : vector<256x2048xi32>
    %jit3A_62 = arith.constant 0x7F800000 : f32
    %broadcast_in_dim3A_63 = vector.broadcast %jit3A_62 : f32 to vector<256x2048xf32>
    %select_n3A_64 = arith.select %eq3A_61, %broadcast_in_dim3A_63, %select_n3A_48 : vector<256x2048xi1>, vector<256x2048xf32>
    %reduce_min3A_65 = arith.constant dense<0x7F800000> : vector<256xf32>
    %reduce_min3A_66 = vector.multi_reduction <minimumf>, %select_n3A_64, %reduce_min3A_65 [1] : vector<256x2048xf32> to vector<256xf32>
    %broadcast_in_dim3A_67 = vector.shape_cast %reduce_min3A_66 : vector<256xf32> to vector<256x1xf32>
    %eq3A_68 = vector.broadcast %broadcast_in_dim3A_67 : vector<256x1xf32> to vector<256x2048xf32>
    %eq3A_69 = arith.cmpf oeq, %select_n3A_64, %eq3A_68 : vector<256x2048xf32>
    %jit3A_70 = arith.constant 2048 : i32
    %broadcast_in_dim3A_71 = vector.broadcast %jit3A_70 : i32 to vector<256x2048xi32>
    %select_n3A_72 = arith.select %eq3A_69, %iota3A, %broadcast_in_dim3A_71 : vector<256x2048xi1>, vector<256x2048xi32>
    %reduce_min3A_73 = arith.constant dense<2147483647> : vector<256xi32>
    %reduce_min3A_74 = vector.multi_reduction <minsi>, %select_n3A_72, %reduce_min3A_73 [1] : vector<256x2048xi32> to vector<256xi32>
    %broadcast_in_dim3A_75 = vector.shape_cast %reduce_min3A_74 : vector<256xi32> to vector<256x1xi32>
    %eq3A_76 = vector.broadcast %broadcast_in_dim3A_75 : vector<256x1xi32> to vector<256x2048xi32>
    %eq3A_77 = arith.cmpi eq, %iota3A, %eq3A_76 : vector<256x2048xi32>
    %jit3A_78 = arith.constant 0x7F800000 : f32
    %broadcast_in_dim3A_79 = vector.broadcast %jit3A_78 : f32 to vector<256x2048xf32>
    %select_n3A_80 = arith.select %eq3A_77, %broadcast_in_dim3A_79, %select_n3A_64 : vector<256x2048xi1>, vector<256x2048xf32>
    %reduce_min3A_81 = arith.constant dense<0x7F800000> : vector<256xf32>
    %reduce_min3A_82 = vector.multi_reduction <minimumf>, %select_n3A_80, %reduce_min3A_81 [1] : vector<256x2048xf32> to vector<256xf32>
    %broadcast_in_dim3A_83 = vector.shape_cast %reduce_min3A_82 : vector<256xf32> to vector<256x1xf32>
    %eq3A_84 = vector.broadcast %broadcast_in_dim3A_83 : vector<256x1xf32> to vector<256x2048xf32>
    %eq3A_85 = arith.cmpf oeq, %select_n3A_80, %eq3A_84 : vector<256x2048xf32>
    %jit3A_86 = arith.constant 2048 : i32
    %broadcast_in_dim3A_87 = vector.broadcast %jit3A_86 : i32 to vector<256x2048xi32>
    %select_n3A_88 = arith.select %eq3A_85, %iota3A, %broadcast_in_dim3A_87 : vector<256x2048xi1>, vector<256x2048xi32>
    %reduce_min3A_89 = arith.constant dense<2147483647> : vector<256xi32>
    %reduce_min3A_90 = vector.multi_reduction <minsi>, %select_n3A_88, %reduce_min3A_89 [1] : vector<256x2048xi32> to vector<256xi32>
    %broadcast_in_dim3A_91 = vector.shape_cast %reduce_min3A_90 : vector<256xi32> to vector<256x1xi32>
    %eq3A_92 = vector.broadcast %broadcast_in_dim3A_91 : vector<256x1xi32> to vector<256x2048xi32>
    %eq3A_93 = arith.cmpi eq, %iota3A, %eq3A_92 : vector<256x2048xi32>
    %jit3A_94 = arith.constant 0x7F800000 : f32
    %broadcast_in_dim3A_95 = vector.broadcast %jit3A_94 : f32 to vector<256x2048xf32>
    %select_n3A_96 = arith.select %eq3A_93, %broadcast_in_dim3A_95, %select_n3A_80 : vector<256x2048xi1>, vector<256x2048xf32>
    %reduce_min3A_97 = arith.constant dense<0x7F800000> : vector<256xf32>
    %reduce_min3A_98 = vector.multi_reduction <minimumf>, %select_n3A_96, %reduce_min3A_97 [1] : vector<256x2048xf32> to vector<256xf32>
    %broadcast_in_dim3A_99 = vector.shape_cast %reduce_min3A_98 : vector<256xf32> to vector<256x1xf32>
    %eq3A_100 = vector.broadcast %broadcast_in_dim3A_99 : vector<256x1xf32> to vector<256x2048xf32>
    %eq3A_101 = arith.cmpf oeq, %select_n3A_96, %eq3A_100 : vector<256x2048xf32>
    %jit3A_102 = arith.constant 2048 : i32
    %broadcast_in_dim3A_103 = vector.broadcast %jit3A_102 : i32 to vector<256x2048xi32>
    %select_n3A_104 = arith.select %eq3A_101, %iota3A, %broadcast_in_dim3A_103 : vector<256x2048xi1>, vector<256x2048xi32>
    %reduce_min3A_105 = arith.constant dense<2147483647> : vector<256xi32>
    %reduce_min3A_106 = vector.multi_reduction <minsi>, %select_n3A_104, %reduce_min3A_105 [1] : vector<256x2048xi32> to vector<256xi32>
    %broadcast_in_dim3A_107 = vector.shape_cast %reduce_min3A_106 : vector<256xi32> to vector<256x1xi32>
    %eq3A_108 = vector.broadcast %broadcast_in_dim3A_107 : vector<256x1xi32> to vector<256x2048xi32>
    %eq3A_109 = arith.cmpi eq, %iota3A, %eq3A_108 : vector<256x2048xi32>
    %jit3A_110 = arith.constant 0x7F800000 : f32
    %broadcast_in_dim3A_111 = vector.broadcast %jit3A_110 : f32 to vector<256x2048xf32>
    %select_n3A_112 = arith.select %eq3A_109, %broadcast_in_dim3A_111, %select_n3A_96 : vector<256x2048xi1>, vector<256x2048xf32>
    %reduce_min3A_113 = arith.constant dense<0x7F800000> : vector<256xf32>
    %reduce_min3A_114 = vector.multi_reduction <minimumf>, %select_n3A_112, %reduce_min3A_113 [1] : vector<256x2048xf32> to vector<256xf32>
    %broadcast_in_dim3A_115 = vector.shape_cast %reduce_min3A_114 : vector<256xf32> to vector<256x1xf32>
    %eq3A_116 = vector.broadcast %broadcast_in_dim3A_115 : vector<256x1xf32> to vector<256x2048xf32>
    %eq3A_117 = arith.cmpf oeq, %select_n3A_112, %eq3A_116 : vector<256x2048xf32>
    %jit3A_118 = arith.constant 2048 : i32
    %broadcast_in_dim3A_119 = vector.broadcast %jit3A_118 : i32 to vector<256x2048xi32>
    %select_n3A_120 = arith.select %eq3A_117, %iota3A, %broadcast_in_dim3A_119 : vector<256x2048xi1>, vector<256x2048xi32>
    %reduce_min3A_121 = arith.constant dense<2147483647> : vector<256xi32>
    %reduce_min3A_122 = vector.multi_reduction <minsi>, %select_n3A_120, %reduce_min3A_121 [1] : vector<256x2048xi32> to vector<256xi32>
    %broadcast_in_dim3A_123 = vector.shape_cast %reduce_min3A_122 : vector<256xi32> to vector<256x1xi32>
    %eq3A_124 = vector.broadcast %broadcast_in_dim3A_123 : vector<256x1xi32> to vector<256x2048xi32>
    %eq3A_125 = arith.cmpi eq, %iota3A, %eq3A_124 : vector<256x2048xi32>
    %jit3A_126 = arith.constant 0x7F800000 : f32
    %broadcast_in_dim3A_127 = vector.broadcast %jit3A_126 : f32 to vector<256x2048xf32>
    %select_n3A_128 = arith.select %eq3A_125, %broadcast_in_dim3A_127, %select_n3A_112 : vector<256x2048xi1>, vector<256x2048xf32>
    %reduce_min3A_129 = arith.constant dense<0x7F800000> : vector<256xf32>
    %reduce_min3A_130 = vector.multi_reduction <minimumf>, %select_n3A_128, %reduce_min3A_129 [1] : vector<256x2048xf32> to vector<256xf32>
    %broadcast_in_dim3A_131 = vector.shape_cast %reduce_min3A_130 : vector<256xf32> to vector<256x1xf32>
    %eq3A_132 = vector.broadcast %broadcast_in_dim3A_131 : vector<256x1xf32> to vector<256x2048xf32>
    %eq3A_133 = arith.cmpf oeq, %select_n3A_128, %eq3A_132 : vector<256x2048xf32>
    %jit3A_134 = arith.constant 2048 : i32
    %broadcast_in_dim3A_135 = vector.broadcast %jit3A_134 : i32 to vector<256x2048xi32>
    %select_n3A_136 = arith.select %eq3A_133, %iota3A, %broadcast_in_dim3A_135 : vector<256x2048xi1>, vector<256x2048xi32>
    %reduce_min3A_137 = arith.constant dense<2147483647> : vector<256xi32>
    %reduce_min3A_138 = vector.multi_reduction <minsi>, %select_n3A_136, %reduce_min3A_137 [1] : vector<256x2048xi32> to vector<256xi32>
    %broadcast_in_dim3A_139 = vector.shape_cast %reduce_min3A_138 : vector<256xi32> to vector<256x1xi32>
    %eq3A_140 = vector.broadcast %broadcast_in_dim3A_139 : vector<256x1xi32> to vector<256x2048xi32>
    %eq3A_141 = arith.cmpi eq, %iota3A, %eq3A_140 : vector<256x2048xi32>
    %jit3A_142 = arith.constant 0x7F800000 : f32
    %broadcast_in_dim3A_143 = vector.broadcast %jit3A_142 : f32 to vector<256x2048xf32>
    %select_n3A_144 = arith.select %eq3A_141, %broadcast_in_dim3A_143, %select_n3A_128 : vector<256x2048xi1>, vector<256x2048xf32>
    %reduce_min3A_145 = arith.constant dense<0x7F800000> : vector<256xf32>
    %reduce_min3A_146 = vector.multi_reduction <minimumf>, %select_n3A_144, %reduce_min3A_145 [1] : vector<256x2048xf32> to vector<256xf32>
    %broadcast_in_dim3A_147 = vector.shape_cast %reduce_min3A_146 : vector<256xf32> to vector<256x1xf32>
    %eq3A_148 = vector.broadcast %broadcast_in_dim3A_147 : vector<256x1xf32> to vector<256x2048xf32>
    %eq3A_149 = arith.cmpf oeq, %select_n3A_144, %eq3A_148 : vector<256x2048xf32>
    %jit3A_150 = arith.constant 2048 : i32
    %broadcast_in_dim3A_151 = vector.broadcast %jit3A_150 : i32 to vector<256x2048xi32>
    %select_n3A_152 = arith.select %eq3A_149, %iota3A, %broadcast_in_dim3A_151 : vector<256x2048xi1>, vector<256x2048xi32>
    %reduce_min3A_153 = arith.constant dense<2147483647> : vector<256xi32>
    %reduce_min3A_154 = vector.multi_reduction <minsi>, %select_n3A_152, %reduce_min3A_153 [1] : vector<256x2048xi32> to vector<256xi32>
    %broadcast_in_dim3A_155 = vector.shape_cast %reduce_min3A_154 : vector<256xi32> to vector<256x1xi32>
    %eq3A_156 = vector.broadcast %broadcast_in_dim3A_155 : vector<256x1xi32> to vector<256x2048xi32>
    %eq3A_157 = arith.cmpi eq, %iota3A, %eq3A_156 : vector<256x2048xi32>
    %jit3A_158 = arith.constant 0x7F800000 : f32
    %broadcast_in_dim3A_159 = vector.broadcast %jit3A_158 : f32 to vector<256x2048xf32>
    %select_n3A_160 = arith.select %eq3A_157, %broadcast_in_dim3A_159, %select_n3A_144 : vector<256x2048xi1>, vector<256x2048xf32>
    %reduce_min3A_161 = arith.constant dense<0x7F800000> : vector<256xf32>
    %reduce_min3A_162 = vector.multi_reduction <minimumf>, %select_n3A_160, %reduce_min3A_161 [1] : vector<256x2048xf32> to vector<256xf32>
    %broadcast_in_dim3A_163 = vector.shape_cast %reduce_min3A_162 : vector<256xf32> to vector<256x1xf32>
    %eq3A_164 = vector.broadcast %broadcast_in_dim3A_163 : vector<256x1xf32> to vector<256x2048xf32>
    %eq3A_165 = arith.cmpf oeq, %select_n3A_160, %eq3A_164 : vector<256x2048xf32>
    %jit3A_166 = arith.constant 2048 : i32
    %broadcast_in_dim3A_167 = vector.broadcast %jit3A_166 : i32 to vector<256x2048xi32>
    %select_n3A_168 = arith.select %eq3A_165, %iota3A, %broadcast_in_dim3A_167 : vector<256x2048xi1>, vector<256x2048xi32>
    %reduce_min3A_169 = arith.constant dense<2147483647> : vector<256xi32>
    %reduce_min3A_170 = vector.multi_reduction <minsi>, %select_n3A_168, %reduce_min3A_169 [1] : vector<256x2048xi32> to vector<256xi32>
    %broadcast_in_dim3A_171 = vector.shape_cast %reduce_min3A_170 : vector<256xi32> to vector<256x1xi32>
    %eq3A_172 = vector.broadcast %broadcast_in_dim3A_171 : vector<256x1xi32> to vector<256x2048xi32>
    %eq3A_173 = arith.cmpi eq, %iota3A, %eq3A_172 : vector<256x2048xi32>
    %jit3A_174 = arith.constant 0x7F800000 : f32
    %broadcast_in_dim3A_175 = vector.broadcast %jit3A_174 : f32 to vector<256x2048xf32>
    %select_n3A_176 = arith.select %eq3A_173, %broadcast_in_dim3A_175, %select_n3A_160 : vector<256x2048xi1>, vector<256x2048xf32>
    %reduce_min3A_177 = arith.constant dense<0x7F800000> : vector<256xf32>
    %reduce_min3A_178 = vector.multi_reduction <minimumf>, %select_n3A_176, %reduce_min3A_177 [1] : vector<256x2048xf32> to vector<256xf32>
    %broadcast_in_dim3A_179 = vector.shape_cast %reduce_min3A_178 : vector<256xf32> to vector<256x1xf32>
    %eq3A_180 = vector.broadcast %broadcast_in_dim3A_179 : vector<256x1xf32> to vector<256x2048xf32>
    %eq3A_181 = arith.cmpf oeq, %select_n3A_176, %eq3A_180 : vector<256x2048xf32>
    %jit3A_182 = arith.constant 2048 : i32
    %broadcast_in_dim3A_183 = vector.broadcast %jit3A_182 : i32 to vector<256x2048xi32>
    %select_n3A_184 = arith.select %eq3A_181, %iota3A, %broadcast_in_dim3A_183 : vector<256x2048xi1>, vector<256x2048xi32>
    %reduce_min3A_185 = arith.constant dense<2147483647> : vector<256xi32>
    %reduce_min3A_186 = vector.multi_reduction <minsi>, %select_n3A_184, %reduce_min3A_185 [1] : vector<256x2048xi32> to vector<256xi32>
    %broadcast_in_dim3A_187 = vector.shape_cast %reduce_min3A_186 : vector<256xi32> to vector<256x1xi32>
    %eq3A_188 = vector.broadcast %broadcast_in_dim3A_187 : vector<256x1xi32> to vector<256x2048xi32>
    %eq3A_189 = arith.cmpi eq, %iota3A, %eq3A_188 : vector<256x2048xi32>
    %jit3A_190 = arith.constant 0x7F800000 : f32
    %broadcast_in_dim3A_191 = vector.broadcast %jit3A_190 : f32 to vector<256x2048xf32>
    %select_n3A_192 = arith.select %eq3A_189, %broadcast_in_dim3A_191, %select_n3A_176 : vector<256x2048xi1>, vector<256x2048xf32>
    %reduce_min3A_193 = arith.constant dense<0x7F800000> : vector<256xf32>
    %reduce_min3A_194 = vector.multi_reduction <minimumf>, %select_n3A_192, %reduce_min3A_193 [1] : vector<256x2048xf32> to vector<256xf32>
    %broadcast_in_dim3A_195 = vector.shape_cast %reduce_min3A_194 : vector<256xf32> to vector<256x1xf32>
    %eq3A_196 = vector.broadcast %broadcast_in_dim3A_195 : vector<256x1xf32> to vector<256x2048xf32>
    %eq3A_197 = arith.cmpf oeq, %select_n3A_192, %eq3A_196 : vector<256x2048xf32>
    %jit3A_198 = arith.constant 2048 : i32
    %broadcast_in_dim3A_199 = vector.broadcast %jit3A_198 : i32 to vector<256x2048xi32>
    %select_n3A_200 = arith.select %eq3A_197, %iota3A, %broadcast_in_dim3A_199 : vector<256x2048xi1>, vector<256x2048xi32>
    %reduce_min3A_201 = arith.constant dense<2147483647> : vector<256xi32>
    %reduce_min3A_202 = vector.multi_reduction <minsi>, %select_n3A_200, %reduce_min3A_201 [1] : vector<256x2048xi32> to vector<256xi32>
    %broadcast_in_dim3A_203 = vector.shape_cast %reduce_min3A_202 : vector<256xi32> to vector<256x1xi32>
    %eq3A_204 = vector.broadcast %broadcast_in_dim3A_203 : vector<256x1xi32> to vector<256x2048xi32>
    %eq3A_205 = arith.cmpi eq, %iota3A, %eq3A_204 : vector<256x2048xi32>
    %jit3A_206 = arith.constant 0x7F800000 : f32
    %broadcast_in_dim3A_207 = vector.broadcast %jit3A_206 : f32 to vector<256x2048xf32>
    %select_n3A_208 = arith.select %eq3A_205, %broadcast_in_dim3A_207, %select_n3A_192 : vector<256x2048xi1>, vector<256x2048xf32>
    %reduce_min3A_209 = arith.constant dense<0x7F800000> : vector<256xf32>
    %reduce_min3A_210 = vector.multi_reduction <minimumf>, %select_n3A_208, %reduce_min3A_209 [1] : vector<256x2048xf32> to vector<256xf32>
    %broadcast_in_dim3A_211 = vector.shape_cast %reduce_min3A_210 : vector<256xf32> to vector<256x1xf32>
    %eq3A_212 = vector.broadcast %broadcast_in_dim3A_211 : vector<256x1xf32> to vector<256x2048xf32>
    %eq3A_213 = arith.cmpf oeq, %select_n3A_208, %eq3A_212 : vector<256x2048xf32>
    %jit3A_214 = arith.constant 2048 : i32
    %broadcast_in_dim3A_215 = vector.broadcast %jit3A_214 : i32 to vector<256x2048xi32>
    %select_n3A_216 = arith.select %eq3A_213, %iota3A, %broadcast_in_dim3A_215 : vector<256x2048xi1>, vector<256x2048xi32>
    %reduce_min3A_217 = arith.constant dense<2147483647> : vector<256xi32>
    %reduce_min3A_218 = vector.multi_reduction <minsi>, %select_n3A_216, %reduce_min3A_217 [1] : vector<256x2048xi32> to vector<256xi32>
    %broadcast_in_dim3A_219 = vector.shape_cast %reduce_min3A_218 : vector<256xi32> to vector<256x1xi32>
    %eq3A_220 = vector.broadcast %broadcast_in_dim3A_219 : vector<256x1xi32> to vector<256x2048xi32>
    %eq3A_221 = arith.cmpi eq, %iota3A, %eq3A_220 : vector<256x2048xi32>
    %jit3A_222 = arith.constant 0x7F800000 : f32
    %broadcast_in_dim3A_223 = vector.broadcast %jit3A_222 : f32 to vector<256x2048xf32>
    %select_n3A_224 = arith.select %eq3A_221, %broadcast_in_dim3A_223, %select_n3A_208 : vector<256x2048xi1>, vector<256x2048xf32>
    %reduce_min3A_225 = arith.constant dense<0x7F800000> : vector<256xf32>
    %reduce_min3A_226 = vector.multi_reduction <minimumf>, %select_n3A_224, %reduce_min3A_225 [1] : vector<256x2048xf32> to vector<256xf32>
    %broadcast_in_dim3A_227 = vector.shape_cast %reduce_min3A_226 : vector<256xf32> to vector<256x1xf32>
    %eq3A_228 = vector.broadcast %broadcast_in_dim3A_227 : vector<256x1xf32> to vector<256x2048xf32>
    %eq3A_229 = arith.cmpf oeq, %select_n3A_224, %eq3A_228 : vector<256x2048xf32>
    %jit3A_230 = arith.constant 2048 : i32
    %broadcast_in_dim3A_231 = vector.broadcast %jit3A_230 : i32 to vector<256x2048xi32>
    %select_n3A_232 = arith.select %eq3A_229, %iota3A, %broadcast_in_dim3A_231 : vector<256x2048xi1>, vector<256x2048xi32>
    %reduce_min3A_233 = arith.constant dense<2147483647> : vector<256xi32>
    %reduce_min3A_234 = vector.multi_reduction <minsi>, %select_n3A_232, %reduce_min3A_233 [1] : vector<256x2048xi32> to vector<256xi32>
    %broadcast_in_dim3A_235 = vector.shape_cast %reduce_min3A_234 : vector<256xi32> to vector<256x1xi32>
    %eq3A_236 = vector.broadcast %broadcast_in_dim3A_235 : vector<256x1xi32> to vector<256x2048xi32>
    %eq3A_237 = arith.cmpi eq, %iota3A, %eq3A_236 : vector<256x2048xi32>
    %jit3A_238 = arith.constant 0x7F800000 : f32
    %broadcast_in_dim3A_239 = vector.broadcast %jit3A_238 : f32 to vector<256x2048xf32>
    %select_n3A_240 = arith.select %eq3A_237, %broadcast_in_dim3A_239, %select_n3A_224 : vector<256x2048xi1>, vector<256x2048xf32>
    %reduce_min3A_241 = arith.constant dense<0x7F800000> : vector<256xf32>
    %reduce_min3A_242 = vector.multi_reduction <minimumf>, %select_n3A_240, %reduce_min3A_241 [1] : vector<256x2048xf32> to vector<256xf32>
    %broadcast_in_dim3A_243 = vector.shape_cast %reduce_min3A_242 : vector<256xf32> to vector<256x1xf32>
    %eq3A_244 = vector.broadcast %broadcast_in_dim3A_243 : vector<256x1xf32> to vector<256x2048xf32>
    %eq3A_245 = arith.cmpf oeq, %select_n3A_240, %eq3A_244 : vector<256x2048xf32>
    %jit3A_246 = arith.constant 2048 : i32
    %broadcast_in_dim3A_247 = vector.broadcast %jit3A_246 : i32 to vector<256x2048xi32>
    %select_n3A_248 = arith.select %eq3A_245, %iota3A, %broadcast_in_dim3A_247 : vector<256x2048xi1>, vector<256x2048xi32>
    %reduce_min3A_249 = arith.constant dense<2147483647> : vector<256xi32>
    %reduce_min3A_250 = vector.multi_reduction <minsi>, %select_n3A_248, %reduce_min3A_249 [1] : vector<256x2048xi32> to vector<256xi32>
    %broadcast_in_dim3A_251 = vector.shape_cast %reduce_min3A_250 : vector<256xi32> to vector<256x1xi32>
    %eq3A_252 = vector.broadcast %broadcast_in_dim3A_251 : vector<256x1xi32> to vector<256x2048xi32>
    %eq3A_253 = arith.cmpi eq, %iota3A, %eq3A_252 : vector<256x2048xi32>
    %jit3A_254 = arith.constant 0x7F800000 : f32
    %broadcast_in_dim3A_255 = vector.broadcast %jit3A_254 : f32 to vector<256x2048xf32>
    %select_n3A_256 = arith.select %eq3A_253, %broadcast_in_dim3A_255, %select_n3A_240 : vector<256x2048xi1>, vector<256x2048xf32>
    %reduce_min3A_257 = arith.constant dense<0x7F800000> : vector<256xf32>
    %reduce_min3A_258 = vector.multi_reduction <minimumf>, %select_n3A_256, %reduce_min3A_257 [1] : vector<256x2048xf32> to vector<256xf32>
    %broadcast_in_dim3A_259 = vector.shape_cast %reduce_min3A_258 : vector<256xf32> to vector<256x1xf32>
    %eq3A_260 = vector.broadcast %broadcast_in_dim3A_259 : vector<256x1xf32> to vector<256x2048xf32>
    %eq3A_261 = arith.cmpf oeq, %select_n3A_256, %eq3A_260 : vector<256x2048xf32>
    %jit3A_262 = arith.constant 2048 : i32
    %broadcast_in_dim3A_263 = vector.broadcast %jit3A_262 : i32 to vector<256x2048xi32>
    %select_n3A_264 = arith.select %eq3A_261, %iota3A, %broadcast_in_dim3A_263 : vector<256x2048xi1>, vector<256x2048xi32>
    %reduce_min3A_265 = arith.constant dense<2147483647> : vector<256xi32>
    %reduce_min3A_266 = vector.multi_reduction <minsi>, %select_n3A_264, %reduce_min3A_265 [1] : vector<256x2048xi32> to vector<256xi32>
    %broadcast_in_dim3A_267 = vector.shape_cast %reduce_min3A_266 : vector<256xi32> to vector<256x1xi32>
    %concatenate3A = tpu.concatenate %broadcast_in_dim3A_27, %broadcast_in_dim3A_43, %broadcast_in_dim3A_59, %broadcast_in_dim3A_75, %broadcast_in_dim3A_91, %broadcast_in_dim3A_107, %broadcast_in_dim3A_123, %broadcast_in_dim3A_139, %broadcast_in_dim3A_155, %broadcast_in_dim3A_171, %broadcast_in_dim3A_187, %broadcast_in_dim3A_203, %broadcast_in_dim3A_219, %broadcast_in_dim3A_235, %broadcast_in_dim3A_251, %broadcast_in_dim3A_267 in 1 : vector<256x1xi32>, vector<256x1xi32>, vector<256x1xi32>, vector<256x1xi32>, vector<256x1xi32>, vector<256x1xi32>, vector<256x1xi32>, vector<256x1xi32>, vector<256x1xi32>, vector<256x1xi32>, vector<256x1xi32>, vector<256x1xi32>, vector<256x1xi32>, vector<256x1xi32>, vector<256x1xi32>, vector<256x1xi32> -> vector<256x16xi32>
    %mul3A_268 = arith.constant 2048 : i32
    %mul3A_269 = arith.muli %arg0, %mul3A_268 : i32
    %add3A_270 = vector.broadcast %mul3A_269 : i32 to vector<256x16xi32>
    %add3A_271 = arith.addi %concatenate3A, %add3A_270 : vector<256x16xi32>
    %swap3A = arith.constant 0 : index
    %swap3A_272 = arith.constant 0 : index
    %swap3A_273 = arith.constant 0 : index
    %swap3A_274 = vector.load %arg4[%swap3A, %swap3A_272, %swap3A_273] : memref<1x256x16xi32, #tpu.memory_space<vmem>>, vector<1x256x16xi32>
    %swap3A_275 = vector.shape_cast %swap3A_274 : vector<1x256x16xi32> to vector<256x16xi32>
    %swap3A_276 = vector.shape_cast %add3A_271 : vector<256x16xi32> to vector<1x256x16xi32>
    tpu.vector_store %arg4[%swap3A, %swap3A_272, %swap3A_273], %swap3A_276 {strides = array<i32>} : memref<1x256x16xi32, #tpu.memory_space<vmem>>, vector<1x256x16xi32>,
    return
  }
  func.func @transform_0(%arg0: i32, %arg1: i32) -> (i32, i32, i32) {
    %c0_i32 = arith.constant 0 : i32
    %c0_i32_0 = arith.constant 0 : i32
    return %arg0, %arg1, %c0_i32 : i32, i32, i32
  }
  func.func @transform_1(%arg0: i32, %arg1: i32) -> (i32, i32, i32) {
    %c0_i32 = arith.constant 0 : i32
    %c0_i32_0 = arith.constant 0 : i32
    %c0_i32_1 = arith.constant 0 : i32
    return %arg0, %c0_i32, %c0_i32_0 : i32, i32, i32
  }
  func.func @transform_2(%arg0: i32, %arg1: i32) -> (i32, i32, i32) {
    %c0_i32 = arith.constant 0 : i32
    %c0_i32_0 = arith.constant 0 : i32
    return %arg0, %arg1, %c0_i32 : i32, i32, i32
  }
}

module attributes {stable_mosaic.version = 14 : i64} {
  func.func @_g2h1_body(%arg0: i32, %arg1: memref<1x2048x64xf32, #tpu.memory_space<vmem>>, %arg2: memref<1x2048x3xf32, #tpu.memory_space<vmem>>, %arg3: memref<1x2048x64xf32, #tpu.memory_space<vmem>>, %arg4: memref<1x2048x3xf32, #tpu.memory_space<vmem>>, %arg5: memref<64x128xf32, #tpu.memory_space<vmem>>, %arg6: memref<64x128xf32, #tpu.memory_space<vmem>>, %arg7: memref<3x128xf32, #tpu.memory_space<vmem>>, %arg8: memref<1x2048x128xf32, #tpu.memory_space<vmem>>, %arg9: memref<1x2048x128xf32, #tpu.memory_space<vmem>>) attributes {dimension_semantics = [#tpu.dimension_semantics<arbitrary>], iteration_bounds = array<i64: 8>, scalar_prefetch = 0 : i64, scratch_operands = 0 : i64, tpu.core_type = #tpu.core_type<tc>, window_params = [{transform_indices = @transform_0, window_bounds = array<i64: 1, 2048, 64>}, {transform_indices = @transform_1, window_bounds = array<i64: 1, 2048, 3>}, {transform_indices = @transform_2, window_bounds = array<i64: 1, 2048, 64>}, {transform_indices = @transform_3, window_bounds = array<i64: 1, 2048, 3>}, {pipeline_mode = #tpu.pipeline_mode<synchronous>, transform_indices = @transform_4, window_bounds = array<i64: 64, 128>}, {pipeline_mode = #tpu.pipeline_mode<synchronous>, transform_indices = @transform_5, window_bounds = array<i64: 64, 128>}, {pipeline_mode = #tpu.pipeline_mode<synchronous>, transform_indices = @transform_6, window_bounds = array<i64: 3, 128>}, {transform_indices = @transform_7, window_bounds = array<i64: 1, 2048, 128>}, {transform_indices = @transform_8, window_bounds = array<i64: 1, 2048, 128>}]} {
    %get3A = arith.constant 0 : index
    %get3A_0 = arith.constant 0 : index
    %get3A_1 = vector.load %arg7[%get3A, %get3A_0] : memref<3x128xf32, #tpu.memory_space<vmem>>, vector<3x128xf32>
    %get3A_2 = arith.constant 0 : index
    %get3A_3 = arith.constant 0 : index
    %get3A_4 = arith.constant 0 : index
    %get3A_5 = vector.load %arg1[%get3A_2, %get3A_3, %get3A_4] : memref<1x2048x64xf32, #tpu.memory_space<vmem>>, vector<1x2048x64xf32>
    %get3A_6 = vector.shape_cast %get3A_5 : vector<1x2048x64xf32> to vector<2048x64xf32>
    %get3A_7 = arith.constant 0 : index
    %get3A_8 = arith.constant 0 : index
    %get3A_9 = vector.load %arg5[%get3A_7, %get3A_8] : memref<64x128xf32, #tpu.memory_space<vmem>>, vector<64x128xf32>
    %dot_general3A = arith.constant dense<0.000000e+00> : vector<2048x128xf32>
    %dot_general3A_10 = tpu.matmul %get3A_6, %get3A_9, %dot_general3A {dimension_numbers = #tpu.dot_dimension_numbers<[1], [0], [0], [1], [0, 0, 1, 1], [], []>, transpose_lhs_hint = false} : vector<2048x64xf32>, vector<64x128xf32>, vector<2048x128xf32> -> vector<2048x128xf32>
    %get3A_11 = arith.constant 0 : index
    %get3A_12 = arith.constant 0 : index
    %get3A_13 = arith.constant 0 : index
    %get3A_14 = vector.load %arg2[%get3A_11, %get3A_12, %get3A_13] : memref<1x2048x3xf32, #tpu.memory_space<vmem>>, vector<1x2048x3xf32>
    %get3A_15 = vector.shape_cast %get3A_14 : vector<1x2048x3xf32> to vector<2048x3xf32>
    %dot_general3A_16 = arith.constant dense<0.000000e+00> : vector<2048x128xf32>
    %dot_general3A_17 = tpu.matmul %get3A_15, %get3A_1, %dot_general3A_16 {dimension_numbers = #tpu.dot_dimension_numbers<[1], [0], [0], [1], [0, 0, 1, 1], [], []>, transpose_lhs_hint = false} : vector<2048x3xf32>, vector<3x128xf32>, vector<2048x128xf32> -> vector<2048x128xf32>
    %add3A = arith.addf %dot_general3A_10, %dot_general3A_17 : vector<2048x128xf32>
    %swap3A = arith.constant 0 : index
    %swap3A_18 = arith.constant 0 : index
    %swap3A_19 = arith.constant 0 : index
    %swap3A_20 = vector.load %arg8[%swap3A, %swap3A_18, %swap3A_19] : memref<1x2048x128xf32, #tpu.memory_space<vmem>>, vector<1x2048x128xf32>
    %swap3A_21 = vector.shape_cast %swap3A_20 : vector<1x2048x128xf32> to vector<2048x128xf32>
    %swap3A_22 = vector.shape_cast %add3A : vector<2048x128xf32> to vector<1x2048x128xf32>
    tpu.vector_store %arg8[%swap3A, %swap3A_18, %swap3A_19], %swap3A_22 {strides = array<i32>} : memref<1x2048x128xf32, #tpu.memory_space<vmem>>, vector<1x2048x128xf32>,
    %get3A_23 = arith.constant 0 : index
    %get3A_24 = arith.constant 0 : index
    %get3A_25 = arith.constant 0 : index
    %get3A_26 = vector.load %arg3[%get3A_23, %get3A_24, %get3A_25] : memref<1x2048x64xf32, #tpu.memory_space<vmem>>, vector<1x2048x64xf32>
    %get3A_27 = vector.shape_cast %get3A_26 : vector<1x2048x64xf32> to vector<2048x64xf32>
    %get3A_28 = arith.constant 0 : index
    %get3A_29 = arith.constant 0 : index
    %get3A_30 = vector.load %arg6[%get3A_28, %get3A_29] : memref<64x128xf32, #tpu.memory_space<vmem>>, vector<64x128xf32>
    %dot_general3A_31 = arith.constant dense<0.000000e+00> : vector<2048x128xf32>
    %dot_general3A_32 = tpu.matmul %get3A_27, %get3A_30, %dot_general3A_31 {dimension_numbers = #tpu.dot_dimension_numbers<[1], [0], [0], [1], [0, 0, 1, 1], [], []>, transpose_lhs_hint = false} : vector<2048x64xf32>, vector<64x128xf32>, vector<2048x128xf32> -> vector<2048x128xf32>
    %get3A_33 = arith.constant 0 : index
    %get3A_34 = arith.constant 0 : index
    %get3A_35 = arith.constant 0 : index
    %get3A_36 = vector.load %arg4[%get3A_33, %get3A_34, %get3A_35] : memref<1x2048x3xf32, #tpu.memory_space<vmem>>, vector<1x2048x3xf32>
    %get3A_37 = vector.shape_cast %get3A_36 : vector<1x2048x3xf32> to vector<2048x3xf32>
    %dot_general3A_38 = arith.constant dense<0.000000e+00> : vector<2048x128xf32>
    %dot_general3A_39 = tpu.matmul %get3A_37, %get3A_1, %dot_general3A_38 {dimension_numbers = #tpu.dot_dimension_numbers<[1], [0], [0], [1], [0, 0, 1, 1], [], []>, transpose_lhs_hint = false} : vector<2048x3xf32>, vector<3x128xf32>, vector<2048x128xf32> -> vector<2048x128xf32>
    %sub3A = arith.subf %dot_general3A_32, %dot_general3A_39 : vector<2048x128xf32>
    %swap3A_40 = arith.constant 0 : index
    %swap3A_41 = arith.constant 0 : index
    %swap3A_42 = arith.constant 0 : index
    %swap3A_43 = vector.load %arg9[%swap3A_40, %swap3A_41, %swap3A_42] : memref<1x2048x128xf32, #tpu.memory_space<vmem>>, vector<1x2048x128xf32>
    %swap3A_44 = vector.shape_cast %swap3A_43 : vector<1x2048x128xf32> to vector<2048x128xf32>
    %swap3A_45 = vector.shape_cast %sub3A : vector<2048x128xf32> to vector<1x2048x128xf32>
    tpu.vector_store %arg9[%swap3A_40, %swap3A_41, %swap3A_42], %swap3A_45 {strides = array<i32>} : memref<1x2048x128xf32, #tpu.memory_space<vmem>>, vector<1x2048x128xf32>,
    return
  }
  func.func @transform_0(%arg0: i32) -> (i32, i32, i32) {
    %c0_i32 = arith.constant 0 : i32
    %c0_i32_0 = arith.constant 0 : i32
    %c0_i32_1 = arith.constant 0 : i32
    return %arg0, %c0_i32, %c0_i32_0 : i32, i32, i32
  }
  func.func @transform_1(%arg0: i32) -> (i32, i32, i32) {
    %c0_i32 = arith.constant 0 : i32
    %c0_i32_0 = arith.constant 0 : i32
    %c0_i32_1 = arith.constant 0 : i32
    return %arg0, %c0_i32, %c0_i32_0 : i32, i32, i32
  }
  func.func @transform_2(%arg0: i32) -> (i32, i32, i32) {
    %c0_i32 = arith.constant 0 : i32
    %c0_i32_0 = arith.constant 0 : i32
    %c0_i32_1 = arith.constant 0 : i32
    return %arg0, %c0_i32, %c0_i32_0 : i32, i32, i32
  }
  func.func @transform_3(%arg0: i32) -> (i32, i32, i32) {
    %c0_i32 = arith.constant 0 : i32
    %c0_i32_0 = arith.constant 0 : i32
    %c0_i32_1 = arith.constant 0 : i32
    return %arg0, %c0_i32, %c0_i32_0 : i32, i32, i32
  }
  func.func @transform_4(%arg0: i32) -> (i32, i32) {
    %c0_i32 = arith.constant 0 : i32
    %c0_i32_0 = arith.constant 0 : i32
    %c0_i32_1 = arith.constant 0 : i32
    return %c0_i32, %c0_i32_0 : i32, i32
  }
  func.func @transform_5(%arg0: i32) -> (i32, i32) {
    %c0_i32 = arith.constant 0 : i32
    %c0_i32_0 = arith.constant 0 : i32
    %c0_i32_1 = arith.constant 0 : i32
    return %c0_i32, %c0_i32_0 : i32, i32
  }
  func.func @transform_6(%arg0: i32) -> (i32, i32) {
    %c0_i32 = arith.constant 0 : i32
    %c0_i32_0 = arith.constant 0 : i32
    %c0_i32_1 = arith.constant 0 : i32
    return %c0_i32, %c0_i32_0 : i32, i32
  }
  func.func @transform_7(%arg0: i32) -> (i32, i32, i32) {
    %c0_i32 = arith.constant 0 : i32
    %c0_i32_0 = arith.constant 0 : i32
    %c0_i32_1 = arith.constant 0 : i32
    return %arg0, %c0_i32, %c0_i32_0 : i32, i32, i32
  }
  func.func @transform_8(%arg0: i32) -> (i32, i32, i32) {
    %c0_i32 = arith.constant 0 : i32
    %c0_i32_0 = arith.constant 0 : i32
    %c0_i32_1 = arith.constant 0 : i32
    return %arg0, %c0_i32, %c0_i32_0 : i32, i32, i32
  }
}

module attributes {stable_mosaic.version = 14 : i64} {
  func.func @_stats1_body(%arg0: i32, %arg1: memref<2048x128xf32, #tpu.memory_space<vmem>>, %arg2: memref<128x128xf32, #tpu.memory_space<vmem>>, %arg3: memref<2x128xf32, #tpu.memory_space<vmem>>) attributes {dimension_semantics = [#tpu.dimension_semantics<arbitrary>], iteration_bounds = array<i64: 128>, scalar_prefetch = 0 : i64, scratch_operands = 0 : i64, tpu.core_type = #tpu.core_type<tc>, window_params = [{transform_indices = @transform_0, window_bounds = array<i64: 2048, 128>}, {transform_indices = @transform_1, window_bounds = array<i64: 128, 128>}, {pipeline_mode = #tpu.pipeline_mode<synchronous>, transform_indices = @transform_2, window_bounds = array<i64: 2, 128>}]} {
    %get3A = arith.constant 0 : index
    %get3A_0 = arith.constant 0 : index
    %get3A_1 = vector.load %arg1[%get3A, %get3A_0] : memref<2048x128xf32, #tpu.memory_space<vmem>>, vector<2048x128xf32>
    %get3A_2 = arith.constant 0 : index
    %get3A_3 = arith.constant 0 : index
    %get3A_4 = vector.load %arg2[%get3A_2, %get3A_3] : memref<128x128xf32, #tpu.memory_space<vmem>>, vector<128x128xf32>
    %broadcast_in_dim3A = vector.shape_cast %get3A_4 : vector<128x128xf32> to vector<128x1x128xf32>
    %broadcast_in_dim3A_5 = vector.shape_cast %broadcast_in_dim3A : vector<128x1x128xf32> to vector<128x1x128xf32>
    %broadcast_in_dim3A_6 = vector.broadcast %broadcast_in_dim3A_5 : vector<128x1x128xf32> to vector<128x16x128xf32>
    %reshape3A = vector.shape_cast %broadcast_in_dim3A_6 : vector<128x16x128xf32> to vector<2048x128xf32>
    %add3A = arith.addf %get3A_1, %reshape3A : vector<2048x128xf32>
    %reduce_sum3A = arith.constant dense<0.000000e+00> : vector<128xf32>
    %reduce_sum3A_7 = vector.multi_reduction <add>, %add3A, %reduce_sum3A [0] : vector<2048x128xf32> to vector<128xf32>
    %broadcast_in_dim3A_8 = vector.shape_cast %reduce_sum3A_7 : vector<128xf32> to vector<1x128xf32>
    %mul3A = arith.mulf %add3A, %add3A : vector<2048x128xf32>
    %reduce_sum3A_9 = arith.constant dense<0.000000e+00> : vector<128xf32>
    %reduce_sum3A_10 = vector.multi_reduction <add>, %mul3A, %reduce_sum3A_9 [0] : vector<2048x128xf32> to vector<128xf32>
    %broadcast_in_dim3A_11 = vector.shape_cast %reduce_sum3A_10 : vector<128xf32> to vector<1x128xf32>
    %concatenate3A = tpu.concatenate %broadcast_in_dim3A_8, %broadcast_in_dim3A_11 in 0 : vector<1x128xf32>, vector<1x128xf32> -> vector<2x128xf32>
    %eq3A = arith.constant 0 : i32
    %eq3A_12 = arith.cmpi eq, %arg0, %eq3A : i32
    %convert_element_type3A = arith.extui %eq3A_12 : i1 to i32
    %cond3A = arith.constant 0 : i32
    %cond3A_13 = arith.cmpi ne, %convert_element_type3A, %cond3A : i32
    scf.if %cond3A_13 {
      %broadcast_in_dim3A_20 = arith.constant 0.000000e+00 : f32
      %broadcast_in_dim3A_21 = vector.broadcast %broadcast_in_dim3A_20 : f32 to vector<2x128xf32>
      %swap3A_22 = arith.constant 0 : index
      %swap3A_23 = arith.constant 0 : index
      %swap3A_24 = vector.load %arg3[%swap3A_22, %swap3A_23] : memref<2x128xf32, #tpu.memory_space<vmem>>, vector<2x128xf32>
      tpu.vector_store %arg3[%swap3A_22, %swap3A_23], %broadcast_in_dim3A_21 {strides = array<i32>} : memref<2x128xf32, #tpu.memory_space<vmem>>, vector<2x128xf32>,
    } else {
    }
    %get3A_14 = arith.constant 0 : index
    %get3A_15 = arith.constant 0 : index
    %get3A_16 = vector.load %arg3[%get3A_14, %get3A_15] : memref<2x128xf32, #tpu.memory_space<vmem>>, vector<2x128xf32>
    %add3A_17 = arith.addf %get3A_16, %concatenate3A : vector<2x128xf32>
    %swap3A = arith.constant 0 : index
    %swap3A_18 = arith.constant 0 : index
    %swap3A_19 = vector.load %arg3[%swap3A, %swap3A_18] : memref<2x128xf32, #tpu.memory_space<vmem>>, vector<2x128xf32>
    tpu.vector_store %arg3[%swap3A, %swap3A_18], %add3A_17 {strides = array<i32>} : memref<2x128xf32, #tpu.memory_space<vmem>>, vector<2x128xf32>,
    return
  }
  func.func @transform_0(%arg0: i32) -> (i32, i32) {
    %c0_i32 = arith.constant 0 : i32
    %c0_i32_0 = arith.constant 0 : i32
    return %arg0, %c0_i32 : i32, i32
  }
  func.func @transform_1(%arg0: i32) -> (i32, i32) {
    %c0_i32 = arith.constant 0 : i32
    %c0_i32_0 = arith.constant 0 : i32
    return %arg0, %c0_i32 : i32, i32
  }
  func.func @transform_2(%arg0: i32) -> (i32, i32) {
    %c0_i32 = arith.constant 0 : i32
    %c0_i32_0 = arith.constant 0 : i32
    %c0_i32_1 = arith.constant 0 : i32
    return %c0_i32, %c0_i32_0 : i32, i32
  }
}

module attributes {stable_mosaic.version = 14 : i64} {
  func.func @_layer2_body(%arg0: i32, %arg1: memref<2048x128xf32, #tpu.memory_space<vmem>>, %arg2: memref<128x128xf32, #tpu.memory_space<vmem>>, %arg3: memref<2x128xf32, #tpu.memory_space<vmem>>, %arg4: memref<128x128xf32, #tpu.memory_space<vmem>>, %arg5: memref<2048x128xf32, #tpu.memory_space<vmem>>, %arg6: memref<2x128xf32, #tpu.memory_space<vmem>>) attributes {dimension_semantics = [#tpu.dimension_semantics<arbitrary>], iteration_bounds = array<i64: 128>, scalar_prefetch = 0 : i64, scratch_operands = 0 : i64, tpu.core_type = #tpu.core_type<tc>, window_params = [{transform_indices = @transform_0, window_bounds = array<i64: 2048, 128>}, {transform_indices = @transform_1, window_bounds = array<i64: 128, 128>}, {pipeline_mode = #tpu.pipeline_mode<synchronous>, transform_indices = @transform_2, window_bounds = array<i64: 2, 128>}, {pipeline_mode = #tpu.pipeline_mode<synchronous>, transform_indices = @transform_3, window_bounds = array<i64: 128, 128>}, {transform_indices = @transform_4, window_bounds = array<i64: 2048, 128>}, {pipeline_mode = #tpu.pipeline_mode<synchronous>, transform_indices = @transform_5, window_bounds = array<i64: 2, 128>}]} {
    %get3A = arith.constant 0 : index
    %get3A_0 = arith.constant 0 : index
    %get3A_1 = vector.load %arg1[%get3A, %get3A_0] : memref<2048x128xf32, #tpu.memory_space<vmem>>, vector<2048x128xf32>
    %get3A_2 = arith.constant 0 : index
    %get3A_3 = arith.constant 0 : index
    %get3A_4 = vector.load %arg2[%get3A_2, %get3A_3] : memref<128x128xf32, #tpu.memory_space<vmem>>, vector<128x128xf32>
    %broadcast_in_dim3A = vector.shape_cast %get3A_4 : vector<128x128xf32> to vector<128x1x128xf32>
    %broadcast_in_dim3A_5 = vector.shape_cast %broadcast_in_dim3A : vector<128x1x128xf32> to vector<128x1x128xf32>
    %broadcast_in_dim3A_6 = vector.broadcast %broadcast_in_dim3A_5 : vector<128x1x128xf32> to vector<128x16x128xf32>
    %reshape3A = vector.shape_cast %broadcast_in_dim3A_6 : vector<128x16x128xf32> to vector<2048x128xf32>
    %add3A = arith.addf %get3A_1, %reshape3A : vector<2048x128xf32>
    %get3A_7 = arith.constant 0 : index
    %get3A_8 = arith.constant 0 : index
    %get3A_9 = vector.load %arg3[%get3A_7, %get3A_8] : memref<2x128xf32, #tpu.memory_space<vmem>>, vector<1x128xf32>
    %mul3A = vector.broadcast %get3A_9 : vector<1x128xf32> to vector<2048x128xf32>
    %mul3A_10 = arith.mulf %add3A, %mul3A : vector<2048x128xf32>
    %get3A_11 = arith.constant 1 : index
    %get3A_12 = arith.constant 0 : index
    %get3A_13 = vector.load %arg3[%get3A_11, %get3A_12] : memref<2x128xf32, #tpu.memory_space<vmem>>, vector<1x128xf32>
    %add3A_14 = vector.broadcast %get3A_13 : vector<1x128xf32> to vector<2048x128xf32>
    %add3A_15 = arith.addf %mul3A_10, %add3A_14 : vector<2048x128xf32>
    %max3A = arith.constant 0.000000e+00 : f32
    %max3A_16 = vector.broadcast %max3A : f32 to vector<2048x128xf32>
    %max3A_17 = arith.maximumf %add3A_15, %max3A_16 : vector<2048x128xf32>
    %get3A_18 = arith.constant 0 : index
    %get3A_19 = arith.constant 0 : index
    %get3A_20 = vector.load %arg4[%get3A_18, %get3A_19] : memref<128x128xf32, #tpu.memory_space<vmem>>, vector<128x128xf32>
    %dot_general3A = arith.constant dense<0.000000e+00> : vector<2048x128xf32>
    %dot_general3A_21 = tpu.matmul %max3A_17, %get3A_20, %dot_general3A {dimension_numbers = #tpu.dot_dimension_numbers<[1], [0], [0], [1], [0, 0, 1, 1], [], []>, transpose_lhs_hint = false} : vector<2048x128xf32>, vector<128x128xf32>, vector<2048x128xf32> -> vector<2048x128xf32>
    %swap3A = arith.constant 0 : index
    %swap3A_22 = arith.constant 0 : index
    %swap3A_23 = vector.load %arg5[%swap3A, %swap3A_22] : memref<2048x128xf32, #tpu.memory_space<vmem>>, vector<2048x128xf32>
    tpu.vector_store %arg5[%swap3A, %swap3A_22], %dot_general3A_21 {strides = array<i32>} : memref<2048x128xf32, #tpu.memory_space<vmem>>, vector<2048x128xf32>,
    %reduce_sum3A = arith.constant dense<0.000000e+00> : vector<128xf32>
    %reduce_sum3A_24 = vector.multi_reduction <add>, %dot_general3A_21, %reduce_sum3A [0] : vector<2048x128xf32> to vector<128xf32>
    %broadcast_in_dim3A_25 = vector.shape_cast %reduce_sum3A_24 : vector<128xf32> to vector<1x128xf32>
    %mul3A_26 = arith.mulf %dot_general3A_21, %dot_general3A_21 : vector<2048x128xf32>
    %reduce_sum3A_27 = arith.constant dense<0.000000e+00> : vector<128xf32>
    %reduce_sum3A_28 = vector.multi_reduction <add>, %mul3A_26, %reduce_sum3A_27 [0] : vector<2048x128xf32> to vector<128xf32>
    %broadcast_in_dim3A_29 = vector.shape_cast %reduce_sum3A_28 : vector<128xf32> to vector<1x128xf32>
    %concatenate3A = tpu.concatenate %broadcast_in_dim3A_25, %broadcast_in_dim3A_29 in 0 : vector<1x128xf32>, vector<1x128xf32> -> vector<2x128xf32>
    %eq3A = arith.constant 0 : i32
    %eq3A_30 = arith.cmpi eq, %arg0, %eq3A : i32
    %convert_element_type3A = arith.extui %eq3A_30 : i1 to i32
    %cond3A = arith.constant 0 : i32
    %cond3A_31 = arith.cmpi ne, %convert_element_type3A, %cond3A : i32
    scf.if %cond3A_31 {
      %broadcast_in_dim3A_39 = arith.constant 0.000000e+00 : f32
      %broadcast_in_dim3A_40 = vector.broadcast %broadcast_in_dim3A_39 : f32 to vector<2x128xf32>
      %swap3A_41 = arith.constant 0 : index
      %swap3A_42 = arith.constant 0 : index
      %swap3A_43 = vector.load %arg6[%swap3A_41, %swap3A_42] : memref<2x128xf32, #tpu.memory_space<vmem>>, vector<2x128xf32>
      tpu.vector_store %arg6[%swap3A_41, %swap3A_42], %broadcast_in_dim3A_40 {strides = array<i32>} : memref<2x128xf32, #tpu.memory_space<vmem>>, vector<2x128xf32>,
    } else {
    }
    %get3A_32 = arith.constant 0 : index
    %get3A_33 = arith.constant 0 : index
    %get3A_34 = vector.load %arg6[%get3A_32, %get3A_33] : memref<2x128xf32, #tpu.memory_space<vmem>>, vector<2x128xf32>
    %add3A_35 = arith.addf %get3A_34, %concatenate3A : vector<2x128xf32>
    %swap3A_36 = arith.constant 0 : index
    %swap3A_37 = arith.constant 0 : index
    %swap3A_38 = vector.load %arg6[%swap3A_36, %swap3A_37] : memref<2x128xf32, #tpu.memory_space<vmem>>, vector<2x128xf32>
    tpu.vector_store %arg6[%swap3A_36, %swap3A_37], %add3A_35 {strides = array<i32>} : memref<2x128xf32, #tpu.memory_space<vmem>>, vector<2x128xf32>,
    return
  }
  func.func @transform_0(%arg0: i32) -> (i32, i32) {
    %c0_i32 = arith.constant 0 : i32
    %c0_i32_0 = arith.constant 0 : i32
    return %arg0, %c0_i32 : i32, i32
  }
  func.func @transform_1(%arg0: i32) -> (i32, i32) {
    %c0_i32 = arith.constant 0 : i32
    %c0_i32_0 = arith.constant 0 : i32
    return %arg0, %c0_i32 : i32, i32
  }
  func.func @transform_2(%arg0: i32) -> (i32, i32) {
    %c0_i32 = arith.constant 0 : i32
    %c0_i32_0 = arith.constant 0 : i32
    %c0_i32_1 = arith.constant 0 : i32
    return %c0_i32, %c0_i32_0 : i32, i32
  }
  func.func @transform_3(%arg0: i32) -> (i32, i32) {
    %c0_i32 = arith.constant 0 : i32
    %c0_i32_0 = arith.constant 0 : i32
    %c0_i32_1 = arith.constant 0 : i32
    return %c0_i32, %c0_i32_0 : i32, i32
  }
  func.func @transform_4(%arg0: i32) -> (i32, i32) {
    %c0_i32 = arith.constant 0 : i32
    %c0_i32_0 = arith.constant 0 : i32
    return %arg0, %c0_i32 : i32, i32
  }
  func.func @transform_5(%arg0: i32) -> (i32, i32) {
    %c0_i32 = arith.constant 0 : i32
    %c0_i32_0 = arith.constant 0 : i32
    %c0_i32_1 = arith.constant 0 : i32
    return %c0_i32, %c0_i32_0 : i32, i32
  }
}

module attributes {stable_mosaic.version = 14 : i64} {
  func.func @_layer3_body(%arg0: i32, %arg1: memref<2048x128xf32, #tpu.memory_space<vmem>>, %arg2: memref<2x128xf32, #tpu.memory_space<vmem>>, %arg3: memref<128x128xf32, #tpu.memory_space<vmem>>, %arg4: memref<2048x128xf32, #tpu.memory_space<vmem>>, %arg5: memref<2x128xf32, #tpu.memory_space<vmem>>) attributes {dimension_semantics = [#tpu.dimension_semantics<arbitrary>], iteration_bounds = array<i64: 128>, scalar_prefetch = 0 : i64, scratch_operands = 0 : i64, tpu.core_type = #tpu.core_type<tc>, window_params = [{transform_indices = @transform_0, window_bounds = array<i64: 2048, 128>}, {pipeline_mode = #tpu.pipeline_mode<synchronous>, transform_indices = @transform_1, window_bounds = array<i64: 2, 128>}, {pipeline_mode = #tpu.pipeline_mode<synchronous>, transform_indices = @transform_2, window_bounds = array<i64: 128, 128>}, {transform_indices = @transform_3, window_bounds = array<i64: 2048, 128>}, {pipeline_mode = #tpu.pipeline_mode<synchronous>, transform_indices = @transform_4, window_bounds = array<i64: 2, 128>}]} {
    %get3A = arith.constant 0 : index
    %get3A_0 = arith.constant 0 : index
    %get3A_1 = vector.load %arg1[%get3A, %get3A_0] : memref<2048x128xf32, #tpu.memory_space<vmem>>, vector<2048x128xf32>
    %get3A_2 = arith.constant 0 : index
    %get3A_3 = arith.constant 0 : index
    %get3A_4 = vector.load %arg2[%get3A_2, %get3A_3] : memref<2x128xf32, #tpu.memory_space<vmem>>, vector<1x128xf32>
    %mul3A = vector.broadcast %get3A_4 : vector<1x128xf32> to vector<2048x128xf32>
    %mul3A_5 = arith.mulf %get3A_1, %mul3A : vector<2048x128xf32>
    %get3A_6 = arith.constant 1 : index
    %get3A_7 = arith.constant 0 : index
    %get3A_8 = vector.load %arg2[%get3A_6, %get3A_7] : memref<2x128xf32, #tpu.memory_space<vmem>>, vector<1x128xf32>
    %add3A = vector.broadcast %get3A_8 : vector<1x128xf32> to vector<2048x128xf32>
    %add3A_9 = arith.addf %mul3A_5, %add3A : vector<2048x128xf32>
    %max3A = arith.constant 0.000000e+00 : f32
    %max3A_10 = vector.broadcast %max3A : f32 to vector<2048x128xf32>
    %max3A_11 = arith.maximumf %add3A_9, %max3A_10 : vector<2048x128xf32>
    %get3A_12 = arith.constant 0 : index
    %get3A_13 = arith.constant 0 : index
    %get3A_14 = vector.load %arg3[%get3A_12, %get3A_13] : memref<128x128xf32, #tpu.memory_space<vmem>>, vector<128x128xf32>
    %dot_general3A = arith.constant dense<0.000000e+00> : vector<2048x128xf32>
    %dot_general3A_15 = tpu.matmul %max3A_11, %get3A_14, %dot_general3A {dimension_numbers = #tpu.dot_dimension_numbers<[1], [0], [0], [1], [0, 0, 1, 1], [], []>, transpose_lhs_hint = false} : vector<2048x128xf32>, vector<128x128xf32>, vector<2048x128xf32> -> vector<2048x128xf32>
    %swap3A = arith.constant 0 : index
    %swap3A_16 = arith.constant 0 : index
    %swap3A_17 = vector.load %arg4[%swap3A, %swap3A_16] : memref<2048x128xf32, #tpu.memory_space<vmem>>, vector<2048x128xf32>
    tpu.vector_store %arg4[%swap3A, %swap3A_16], %dot_general3A_15 {strides = array<i32>} : memref<2048x128xf32, #tpu.memory_space<vmem>>, vector<2048x128xf32>,
    %reduce_sum3A = arith.constant dense<0.000000e+00> : vector<128xf32>
    %reduce_sum3A_18 = vector.multi_reduction <add>, %dot_general3A_15, %reduce_sum3A [0] : vector<2048x128xf32> to vector<128xf32>
    %broadcast_in_dim3A = vector.shape_cast %reduce_sum3A_18 : vector<128xf32> to vector<1x128xf32>
    %mul3A_19 = arith.mulf %dot_general3A_15, %dot_general3A_15 : vector<2048x128xf32>
    %reduce_sum3A_20 = arith.constant dense<0.000000e+00> : vector<128xf32>
    %reduce_sum3A_21 = vector.multi_reduction <add>, %mul3A_19, %reduce_sum3A_20 [0] : vector<2048x128xf32> to vector<128xf32>
    %broadcast_in_dim3A_22 = vector.shape_cast %reduce_sum3A_21 : vector<128xf32> to vector<1x128xf32>
    %concatenate3A = tpu.concatenate %broadcast_in_dim3A, %broadcast_in_dim3A_22 in 0 : vector<1x128xf32>, vector<1x128xf32> -> vector<2x128xf32>
    %eq3A = arith.constant 0 : i32
    %eq3A_23 = arith.cmpi eq, %arg0, %eq3A : i32
    %convert_element_type3A = arith.extui %eq3A_23 : i1 to i32
    %cond3A = arith.constant 0 : i32
    %cond3A_24 = arith.cmpi ne, %convert_element_type3A, %cond3A : i32
    scf.if %cond3A_24 {
      %broadcast_in_dim3A_32 = arith.constant 0.000000e+00 : f32
      %broadcast_in_dim3A_33 = vector.broadcast %broadcast_in_dim3A_32 : f32 to vector<2x128xf32>
      %swap3A_34 = arith.constant 0 : index
      %swap3A_35 = arith.constant 0 : index
      %swap3A_36 = vector.load %arg5[%swap3A_34, %swap3A_35] : memref<2x128xf32, #tpu.memory_space<vmem>>, vector<2x128xf32>
      tpu.vector_store %arg5[%swap3A_34, %swap3A_35], %broadcast_in_dim3A_33 {strides = array<i32>} : memref<2x128xf32, #tpu.memory_space<vmem>>, vector<2x128xf32>,
    } else {
    }
    %get3A_25 = arith.constant 0 : index
    %get3A_26 = arith.constant 0 : index
    %get3A_27 = vector.load %arg5[%get3A_25, %get3A_26] : memref<2x128xf32, #tpu.memory_space<vmem>>, vector<2x128xf32>
    %add3A_28 = arith.addf %get3A_27, %concatenate3A : vector<2x128xf32>
    %swap3A_29 = arith.constant 0 : index
    %swap3A_30 = arith.constant 0 : index
    %swap3A_31 = vector.load %arg5[%swap3A_29, %swap3A_30] : memref<2x128xf32, #tpu.memory_space<vmem>>, vector<2x128xf32>
    tpu.vector_store %arg5[%swap3A_29, %swap3A_30], %add3A_28 {strides = array<i32>} : memref<2x128xf32, #tpu.memory_space<vmem>>, vector<2x128xf32>,
    return
  }
  func.func @transform_0(%arg0: i32) -> (i32, i32) {
    %c0_i32 = arith.constant 0 : i32
    %c0_i32_0 = arith.constant 0 : i32
    return %arg0, %c0_i32 : i32, i32
  }
  func.func @transform_1(%arg0: i32) -> (i32, i32) {
    %c0_i32 = arith.constant 0 : i32
    %c0_i32_0 = arith.constant 0 : i32
    %c0_i32_1 = arith.constant 0 : i32
    return %c0_i32, %c0_i32_0 : i32, i32
  }
  func.func @transform_2(%arg0: i32) -> (i32, i32) {
    %c0_i32 = arith.constant 0 : i32
    %c0_i32_0 = arith.constant 0 : i32
    %c0_i32_1 = arith.constant 0 : i32
    return %c0_i32, %c0_i32_0 : i32, i32
  }
  func.func @transform_3(%arg0: i32) -> (i32, i32) {
    %c0_i32 = arith.constant 0 : i32
    %c0_i32_0 = arith.constant 0 : i32
    return %arg0, %c0_i32 : i32, i32
  }
  func.func @transform_4(%arg0: i32) -> (i32, i32) {
    %c0_i32 = arith.constant 0 : i32
    %c0_i32_0 = arith.constant 0 : i32
    %c0_i32_1 = arith.constant 0 : i32
    return %c0_i32, %c0_i32_0 : i32, i32
  }
}

module attributes {stable_mosaic.version = 14 : i64} {
  func.func @_layer4_body(%arg0: i32, %arg1: memref<2048x128xf32, #tpu.memory_space<vmem>>, %arg2: memref<2x128xf32, #tpu.memory_space<vmem>>, %arg3: memref<128x256xf32, #tpu.memory_space<vmem>>, %arg4: memref<128x256xf32, #tpu.memory_space<vmem>>, %arg5: memref<2x256xf32, #tpu.memory_space<vmem>>) attributes {dimension_semantics = [#tpu.dimension_semantics<arbitrary>], iteration_bounds = array<i64: 128>, scalar_prefetch = 0 : i64, scratch_operands = 0 : i64, tpu.core_type = #tpu.core_type<tc>, window_params = [{transform_indices = @transform_0, window_bounds = array<i64: 2048, 128>}, {pipeline_mode = #tpu.pipeline_mode<synchronous>, transform_indices = @transform_1, window_bounds = array<i64: 2, 128>}, {pipeline_mode = #tpu.pipeline_mode<synchronous>, transform_indices = @transform_2, window_bounds = array<i64: 128, 256>}, {transform_indices = @transform_3, window_bounds = array<i64: 128, 256>}, {pipeline_mode = #tpu.pipeline_mode<synchronous>, transform_indices = @transform_4, window_bounds = array<i64: 2, 256>}]} {
    %get3A = arith.constant 0 : index
    %get3A_0 = arith.constant 0 : index
    %get3A_1 = vector.load %arg1[%get3A, %get3A_0] : memref<2048x128xf32, #tpu.memory_space<vmem>>, vector<2048x128xf32>
    %get3A_2 = arith.constant 0 : index
    %get3A_3 = arith.constant 0 : index
    %get3A_4 = vector.load %arg2[%get3A_2, %get3A_3] : memref<2x128xf32, #tpu.memory_space<vmem>>, vector<1x128xf32>
    %mul3A = vector.broadcast %get3A_4 : vector<1x128xf32> to vector<2048x128xf32>
    %mul3A_5 = arith.mulf %get3A_1, %mul3A : vector<2048x128xf32>
    %get3A_6 = arith.constant 1 : index
    %get3A_7 = arith.constant 0 : index
    %get3A_8 = vector.load %arg2[%get3A_6, %get3A_7] : memref<2x128xf32, #tpu.memory_space<vmem>>, vector<1x128xf32>
    %add3A = vector.broadcast %get3A_8 : vector<1x128xf32> to vector<2048x128xf32>
    %add3A_9 = arith.addf %mul3A_5, %add3A : vector<2048x128xf32>
    %max3A = arith.constant 0.000000e+00 : f32
    %max3A_10 = vector.broadcast %max3A : f32 to vector<2048x128xf32>
    %max3A_11 = arith.maximumf %add3A_9, %max3A_10 : vector<2048x128xf32>
    %reshape3A = vector.shape_cast %max3A_11 : vector<2048x128xf32> to vector<128x16x128xf32>
    %reduce_max3A = arith.constant dense<0xFF800000> : vector<128x128xf32>
    %reduce_max3A_12 = vector.multi_reduction <maximumf>, %reshape3A, %reduce_max3A [1] : vector<128x16x128xf32> to vector<128x128xf32>
    %get3A_13 = arith.constant 0 : index
    %get3A_14 = arith.constant 0 : index
    %get3A_15 = vector.load %arg3[%get3A_13, %get3A_14] : memref<128x256xf32, #tpu.memory_space<vmem>>, vector<128x256xf32>
    %dot_general3A = arith.constant dense<0.000000e+00> : vector<128x256xf32>
    %dot_general3A_16 = tpu.matmul %reduce_max3A_12, %get3A_15, %dot_general3A {dimension_numbers = #tpu.dot_dimension_numbers<[1], [0], [0], [1], [0, 0, 1, 1], [], []>, transpose_lhs_hint = false} : vector<128x128xf32>, vector<128x256xf32>, vector<128x256xf32> -> vector<128x256xf32>
    %swap3A = arith.constant 0 : index
    %swap3A_17 = arith.constant 0 : index
    %swap3A_18 = vector.load %arg4[%swap3A, %swap3A_17] : memref<128x256xf32, #tpu.memory_space<vmem>>, vector<128x256xf32>
    tpu.vector_store %arg4[%swap3A, %swap3A_17], %dot_general3A_16 {strides = array<i32>} : memref<128x256xf32, #tpu.memory_space<vmem>>, vector<128x256xf32>,
    %reduce_sum3A = arith.constant dense<0.000000e+00> : vector<256xf32>
    %reduce_sum3A_19 = vector.multi_reduction <add>, %dot_general3A_16, %reduce_sum3A [0] : vector<128x256xf32> to vector<256xf32>
    %broadcast_in_dim3A = vector.shape_cast %reduce_sum3A_19 : vector<256xf32> to vector<1x256xf32>
    %mul3A_20 = arith.mulf %dot_general3A_16, %dot_general3A_16 : vector<128x256xf32>
    %reduce_sum3A_21 = arith.constant dense<0.000000e+00> : vector<256xf32>
    %reduce_sum3A_22 = vector.multi_reduction <add>, %mul3A_20, %reduce_sum3A_21 [0] : vector<128x256xf32> to vector<256xf32>
    %broadcast_in_dim3A_23 = vector.shape_cast %reduce_sum3A_22 : vector<256xf32> to vector<1x256xf32>
    %concatenate3A = tpu.concatenate %broadcast_in_dim3A, %broadcast_in_dim3A_23 in 0 : vector<1x256xf32>, vector<1x256xf32> -> vector<2x256xf32>
    %eq3A = arith.constant 0 : i32
    %eq3A_24 = arith.cmpi eq, %arg0, %eq3A : i32
    %convert_element_type3A = arith.extui %eq3A_24 : i1 to i32
    %cond3A = arith.constant 0 : i32
    %cond3A_25 = arith.cmpi ne, %convert_element_type3A, %cond3A : i32
    scf.if %cond3A_25 {
      %broadcast_in_dim3A_33 = arith.constant 0.000000e+00 : f32
      %broadcast_in_dim3A_34 = vector.broadcast %broadcast_in_dim3A_33 : f32 to vector<2x256xf32>
      %swap3A_35 = arith.constant 0 : index
      %swap3A_36 = arith.constant 0 : index
      %swap3A_37 = vector.load %arg5[%swap3A_35, %swap3A_36] : memref<2x256xf32, #tpu.memory_space<vmem>>, vector<2x256xf32>
      tpu.vector_store %arg5[%swap3A_35, %swap3A_36], %broadcast_in_dim3A_34 {strides = array<i32>} : memref<2x256xf32, #tpu.memory_space<vmem>>, vector<2x256xf32>,
    } else {
    }
    %get3A_26 = arith.constant 0 : index
    %get3A_27 = arith.constant 0 : index
    %get3A_28 = vector.load %arg5[%get3A_26, %get3A_27] : memref<2x256xf32, #tpu.memory_space<vmem>>, vector<2x256xf32>
    %add3A_29 = arith.addf %get3A_28, %concatenate3A : vector<2x256xf32>
    %swap3A_30 = arith.constant 0 : index
    %swap3A_31 = arith.constant 0 : index
    %swap3A_32 = vector.load %arg5[%swap3A_30, %swap3A_31] : memref<2x256xf32, #tpu.memory_space<vmem>>, vector<2x256xf32>
    tpu.vector_store %arg5[%swap3A_30, %swap3A_31], %add3A_29 {strides = array<i32>} : memref<2x256xf32, #tpu.memory_space<vmem>>, vector<2x256xf32>,
    return
  }
  func.func @transform_0(%arg0: i32) -> (i32, i32) {
    %c0_i32 = arith.constant 0 : i32
    %c0_i32_0 = arith.constant 0 : i32
    return %arg0, %c0_i32 : i32, i32
  }
  func.func @transform_1(%arg0: i32) -> (i32, i32) {
    %c0_i32 = arith.constant 0 : i32
    %c0_i32_0 = arith.constant 0 : i32
    %c0_i32_1 = arith.constant 0 : i32
    return %c0_i32, %c0_i32_0 : i32, i32
  }
  func.func @transform_2(%arg0: i32) -> (i32, i32) {
    %c0_i32 = arith.constant 0 : i32
    %c0_i32_0 = arith.constant 0 : i32
    %c0_i32_1 = arith.constant 0 : i32
    return %c0_i32, %c0_i32_0 : i32, i32
  }
  func.func @transform_3(%arg0: i32) -> (i32, i32) {
    %c0_i32 = arith.constant 0 : i32
    %c0_i32_0 = arith.constant 0 : i32
    return %arg0, %c0_i32 : i32, i32
  }
  func.func @transform_4(%arg0: i32) -> (i32, i32) {
    %c0_i32 = arith.constant 0 : i32
    %c0_i32_0 = arith.constant 0 : i32
    %c0_i32_1 = arith.constant 0 : i32
    return %c0_i32, %c0_i32_0 : i32, i32
  }
}

module attributes {stable_mosaic.version = 14 : i64} {
  func.func @_final_body(%arg0: i32, %arg1: i32, %arg2: memref<512x256xf32, #tpu.memory_space<vmem>>, %arg3: memref<2x256xf32, #tpu.memory_space<vmem>>, %arg4: memref<1x256x512xf32, #tpu.memory_space<vmem>>) attributes {dimension_semantics = [#tpu.dimension_semantics<arbitrary>, #tpu.dimension_semantics<arbitrary>], iteration_bounds = array<i64: 8, 4>, scalar_prefetch = 0 : i64, scratch_operands = 0 : i64, tpu.core_type = #tpu.core_type<tc>, window_params = [{transform_indices = @transform_0, window_bounds = array<i64: 512, 256>}, {pipeline_mode = #tpu.pipeline_mode<synchronous>, transform_indices = @transform_1, window_bounds = array<i64: 2, 256>}, {transform_indices = @transform_2, window_bounds = array<i64: 1, 256, 512>}]} {
    %get3A = arith.constant 0 : index
    %get3A_0 = arith.constant 0 : index
    %get3A_1 = vector.load %arg2[%get3A, %get3A_0] : memref<512x256xf32, #tpu.memory_space<vmem>>, vector<512x256xf32>
    %get3A_2 = arith.constant 0 : index
    %get3A_3 = arith.constant 0 : index
    %get3A_4 = vector.load %arg3[%get3A_2, %get3A_3] : memref<2x256xf32, #tpu.memory_space<vmem>>, vector<1x256xf32>
    %mul3A = vector.broadcast %get3A_4 : vector<1x256xf32> to vector<512x256xf32>
    %mul3A_5 = arith.mulf %get3A_1, %mul3A : vector<512x256xf32>
    %get3A_6 = arith.constant 1 : index
    %get3A_7 = arith.constant 0 : index
    %get3A_8 = vector.load %arg3[%get3A_6, %get3A_7] : memref<2x256xf32, #tpu.memory_space<vmem>>, vector<1x256xf32>
    %add3A = vector.broadcast %get3A_8 : vector<1x256xf32> to vector<512x256xf32>
    %add3A_9 = arith.addf %mul3A_5, %add3A : vector<512x256xf32>
    %max3A = arith.constant 0.000000e+00 : f32
    %max3A_10 = vector.broadcast %max3A : f32 to vector<512x256xf32>
    %max3A_11 = arith.maximumf %add3A_9, %max3A_10 : vector<512x256xf32>
    %transpose3A = tpu.transpose %max3A_11, [1, 0] : vector<512x256xf32> -> vector<256x512xf32>
    %swap3A = arith.constant 0 : index
    %swap3A_12 = arith.constant 0 : index
    %swap3A_13 = arith.constant 0 : index
    %swap3A_14 = vector.load %arg4[%swap3A, %swap3A_12, %swap3A_13] : memref<1x256x512xf32, #tpu.memory_space<vmem>>, vector<1x256x512xf32>
    %swap3A_15 = vector.shape_cast %swap3A_14 : vector<1x256x512xf32> to vector<256x512xf32>
    %swap3A_16 = vector.shape_cast %transpose3A : vector<256x512xf32> to vector<1x256x512xf32>
    tpu.vector_store %arg4[%swap3A, %swap3A_12, %swap3A_13], %swap3A_16 {strides = array<i32>} : memref<1x256x512xf32, #tpu.memory_space<vmem>>, vector<1x256x512xf32>,
    return
  }
  func.func @transform_0(%arg0: i32, %arg1: i32) -> (i32, i32) {
    %mul3A = arith.constant 4 : i32
    %mul3A_0 = arith.muli %arg0, %mul3A : i32
    %add3A = arith.addi %mul3A_0, %arg1 : i32
    %c0_i32 = arith.constant 0 : i32
    %c0_i32_1 = arith.constant 0 : i32
    return %add3A, %c0_i32 : i32, i32
  }
  func.func @transform_1(%arg0: i32, %arg1: i32) -> (i32, i32) {
    %c0_i32 = arith.constant 0 : i32
    %c0_i32_0 = arith.constant 0 : i32
    %c0_i32_1 = arith.constant 0 : i32
    return %c0_i32, %c0_i32_0 : i32, i32
  }
  func.func @transform_2(%arg0: i32, %arg1: i32) -> (i32, i32, i32) {
    %c0_i32 = arith.constant 0 : i32
    %c0_i32_0 = arith.constant 0 : i32
    return %arg0, %c0_i32, %arg1 : i32, i32, i32
  }
}

</mosaic_0001>

<sc_bundles>
// kernel: kernel.10.cloned.1.call-start
scs
__scs_entry_jumppad:
0x0: {  	(pc) =	sbr.rel $0x88, $3  }
0x1: {  	(tag) =	ssettag $0x0;
	lr =	simm.s32 $0x1  }
0x2: {  	[smem:$0x3F91] =	sst lr;
	_ =	strace $0xD0000000  }
0x3: {  	_ = 	snop  }
0x4: {  	_ = 	snop  }
0x5: {  	_ = 	snop  }
0x6: {  	_ = 	snop  }
0x7: {  	_ = 	snop  }
__scs_overlays_trampoline_lowered:
0x8: {  	[smem:$0x3FA0] =	sst s0  }
0x9: {  	[smem:$0x3FA1] =	sst s1  }
0xa: {  	[smem:$0x3FA2] =	sst s2  }
0xb: {  	[smem:$0x3FA3] =	sst s3  }
0xc: {  	[smem:$0x3FA4] =	sst s4  }
0xd: {  	[smem:$0x3FA5] =	sst s5  }
0xe: {  	[smem:$0x3FA6] =	sst s6  }
0xf: {  	[smem:$0x3FA7] =	sst s7  }
0x10: {  	[smem:$0x3FA8] =	sst s8  }
0x11: {  	[smem:$0x3FA9] =	sst s9;
	s0 =	simm.s32 @!p0 $0x0  }
0x12: {  	s1 =	sld [smem:$0x3F8F];
	s0 =	simm.s32 @p0 $0x1  }
0x13: {  	[smem:$0x3FAA] =	sst s0;
	s0 =	simm.s32 @!p1 $0x0  }
0x14: {  	s2 =	sld [smem:$0x3F8E];
	s0 =	simm.s32 @p1 $0x1  }
0x15: {  	[smem:$0x3FAB] =	sst s0;
	s0 =	simm.s32 @!p2 $0x0  }
0x16: {  	s3 =	sld [smem:$0x3FDB];
	s0 =	simm.s32 @p2 $0x1  }
0x17: {  	s4 =	simm.s32 $0x1BF5;
	[smem:$0x3FAD] =	sst s0  }
0x18: {  	s0 =	sld [smem:$0x3F90];
	_ =	swait.ge [sflag:s4], $0x0  }
0x19: {  	s7 =	sld [smem:$0x3F91]  }
0x1a: {  	s8 =	sadd.s32 $0xFFFFE003, lr  }
0x1b: {  	s9 =	sadd.s32 $0xFFFFFEF7, lr;
	s5 =	simm.s32 $0xFFFFFFFF;
	p2 =	slt.u32 s8, $0xFFFFF086  }
0x1c: {  	p1 =	slt.u32 s9, $0xF7A;
	s5 =	simm.s32 @!p2 $0x0  }
0x1d: {  	s5 =	simm.s32 @p1 $0x1;
	p0 =	seq.s32 s7, s2  }
0x1e: {  	s7 =	smul.u32 @!p0 $0xF7A, s2;
	p2 =	seq.s32 @!p0 s5, $0x0  }
0x1f: {  	s9 =	smul.u32 $0xF7A, s1;
	s8 =	simm.s32 @!p0 $0x1BF5;
	p2 =	por !p2, p0  }
0x20: {  	[sflag:s8] =	ssyncset.s32 @!p0 $0xFFFFF086;
	s6 =	sadd.s32 @!p0 s3, s7;
	s7 =	simm.s32 @!p0 $0x108  }
0x21: {  	s3 =	sadd.s32 s3, s9;
	s6 =	sadd.s32 @!p0 $0x88, s6;
	s7 =	simm.s32 @p2 $0x1082  }
0x22: {  	[simem:s7], [sflag:s8] =	dma.local @!p0 [hbm:s6], $0xF7A  }
0x23: {  	s9 =	sor.u32 $0xD0000000, s2;
	s6 =	simm.s32 $0x108;
	_ =	swait.ge @!p0 [sflag:s8], $0x0  }
0x24: {  	s3 =	sadd.s32 $0x88, s3;
	s6 =	simm.s32 @!p1 $0x1082;
	[sflag:s4] =	ssyncset.s32 $0xFFFFF086  }
0x25: {  	[simem:s6], [sflag:s4] =	dma.local [hbm:s3], $0xF7A  }
0x26: {  	[smem:$0x3F91] =	sst s1;
	(tag) =	ssettag s2;
	_ =	strace s9  }
0x27: {  	s1 =	sld [smem:$0x3FA1]  }
0x28: {  	s2 =	sld [smem:$0x3FA2]  }
0x29: {  	s4 =	sld [smem:$0x3FA4]  }
0x2a: {  	p0 =	seq.s32 s5, $0x0;
	s5 =	sld [smem:$0x3FA5]  }
0x2b: {  	s6 =	sld [smem:$0x3FA6]  }
0x2c: {  	s7 =	sld [smem:$0x3FA7]  }
0x2d: {  	s3 =	simm.s32 $0x108;
	s8 =	sld [smem:$0x3FA8]  }
0x2e: {  	s3 =	simm.s32 @!p0 $0x1082;
	s9 =	sld [smem:$0x3FA9]  }
0x2f: {  	lr =	sadd.s32 s0, s3;
	s0 =	sld [smem:$0x3FA0]  }
0x30: {  	s3 =	sld [smem:$0x3FA3]  }
0x31: {  	[smem:$0x3FAC] =	sst s10  }
0x32: {  	s10 =	sld [smem:$0x3FAA];
	_ =	sdelay $0x3  }
0x33: {  	p0 =	seq.s32 s10, $0x1;
	s10 =	sld [smem:$0x3FAC];
	_ =	sdelay $0x3  }
0x34: {  	[smem:$0x3FAC] =	sst s10  }
0x35: {  	s10 =	sld [smem:$0x3FAB];
	_ =	sdelay $0x3  }
0x36: {  	p1 =	seq.s32 s10, $0x1;
	s10 =	sld [smem:$0x3FAC];
	_ =	sdelay $0x3  }
0x37: {  	[smem:$0x3FAC] =	sst s10  }
0x38: {  	s10 =	sld [smem:$0x3FAD]  }
0x39: {  	_ = 	snop;
	(pc) =	sbr.ind lr, $3  }
0x3a: {  	_ = 	snop  }
0x3b: {  	_ = 	snop  }
0x3c: {  	p2 =	seq.s32 s10, $0x1;
	s10 =	sld [smem:$0x3FAC]  }
0x3d: {  	_ =	shalt  }
0x3e: {  	_ =	shalt  }
0x3f: {  	_ =	shalt  }
0x40: {  	_ =	shalt  }
0x41: {  	_ =	shalt  }
0x42: {  	_ =	shalt  }
0x43: {  	_ =	shalt  }
0x44: {  	_ =	shalt  }
0x45: {  	_ =	shalt  }
0x46: {  	_ =	shalt  }
0x47: {  	_ =	shalt  }
0x48: {  	_ =	shalt  }
0x49: {  	_ =	shalt  }
0x4a: {  	_ =	shalt  }
0x4b: {  	_ =	shalt  }
0x4c: {  	_ =	shalt  }
0x4d: {  	_ =	shalt  }
0x4e: {  	_ =	shalt  }
0x4f: {  	_ =	shalt  }
0x50: {  	_ =	shalt  }
0x51: {  	_ =	shalt  }
0x52: {  	_ =	shalt  }
0x53: {  	_ =	shalt  }
0x54: {  	_ =	shalt  }
0x55: {  	_ =	shalt  }
0x56: {  	_ =	shalt  }
0x57: {  	_ =	shalt  }
0x58: {  	_ =	shalt  }
0x59: {  	_ =	shalt  }
0x5a: {  	_ =	shalt  }
0x5b: {  	_ =	shalt  }
0x5c: {  	_ =	shalt  }
0x5d: {  	_ =	shalt  }
0x5e: {  	_ =	shalt  }
0x5f: {  	_ =	shalt  }
0x60: {  	_ =	shalt  }
0x61: {  	_ =	shalt  }
0x62: {  	_ =	shalt  }
0x63: {  	_ =	shalt  }
0x64: {  	_ =	shalt  }
0x65: {  	_ =	shalt  }
0x66: {  	_ =	shalt  }
0x67: {  	_ =	shalt  }
0x68: {  	_ =	shalt  }
0x69: {  	_ =	shalt  }
0x6a: {  	_ =	shalt  }
0x6b: {  	_ =	shalt  }
0x6c: {  	_ =	shalt  }
0x6d: {  	_ =	shalt  }
0x6e: {  	_ =	shalt  }
0x6f: {  	_ =	shalt  }
0x70: {  	_ =	shalt  }
0x71: {  	_ =	shalt  }
0x72: {  	_ =	shalt  }
0x73: {  	_ =	shalt  }
0x74: {  	_ =	shalt  }
0x75: {  	_ =	shalt  }
0x76: {  	_ =	shalt  }
0x77: {  	_ =	shalt  }
0x78: {  	_ =	shalt  }
0x79: {  	_ =	shalt  }
0x7a: {  	_ =	shalt  }
0x7b: {  	_ =	shalt  }
0x7c: {  	_ =	shalt  }
0x7d: {  	_ =	shalt  }
0x7e: {  	_ =	shalt  }
0x7f: {  	_ =	shalt  }
0x80: {  	_ =	shalt  }
0x81: {  	_ =	shalt  }
0x82: {  	_ =	shalt  }
0x83: {  	_ =	shalt  }
0x84: {  	_ =	shalt  }
0x85: {  	_ =	shalt  }
0x86: {  	_ =	shalt  }
0x87: {  	_ =	shalt  }
.Lfunc_end0:
.L_simem_size_0:
called_computation_lowered:
.L_overlay_start_0:
0x88: {  	s2 =	sld [smem:$0x3FD9]  }
0x89: {  	s3 =	sld [smem:$0x3FFE];
	_ =	sdelay $0x1  }
0x8a: {  	s1 =	srdreg.scid  }
0x8b: {  	s0 =	sand.u32 $0x1, s1  }
0x8c: {  	s17 =	sshll.u32 s0, $0xA;
	s2 =	sadd.s32 s3, s2  }
0x8d: {  	s2 =	sadd.s32 s2, s17  }
0x8e: {  	[smem:$0x3FB8] =	sst s2  }
0x8f: {  	_ = 	snop  }
0x90: {  	s2 =	sld [smem:$0x3FD0];
	(tm) =	ssettm $0x1  }
0x91: {  	s18 =	sld [smem:$0x3FFB];
	_ =	sdelay $0x3  }
0x92: {  	_ =	strace s18  }
0x93: {  	s3 =	sld [smem:$0x3FFC];
	_ =	sdelay $0x3  }
0x94: {  	_ =	strace s3  }
0x95: {  	s3 =	sld [smem:$0x3FFD];
	_ =	sdelay $0x3  }
0x96: {  	_ =	strace s3  }
0x97: {  	_ =	strace $0x8FFFFFFF  }
0x98: {  	s19 =	sld [smem:$0x3FDB];
	_ =	sdelay $0x1  }
0x99: {  	s4 =	simm.s32 $_scs_section_size  }
0x9a: {  	s5 =	simm.s32 $_size__tile_overlayer_lowered;
	s6 =	simm.s32 $_tile_overlayer_lowered  }
0x9b: {  	s22 =	simm.s32 $0x1BFF;
	s21 =	sshll.u32 s6, $0x1;
	s3 =	sadd.s32 s4, s19  }
0x9c: {  	s7 =	simm.s32 $0x0;
	s20 =	sshll.u32 s5, $0x1;
	s5 =	sadd.s32 s21, s3  }
0x9d: {  	[timem:s7], [sflag:s22] =	dma.local [hbm:s5], s20  }
0x9e: {  	_ =	swait.ge [sflag:s22], s20  }
0x9f: {  	s4 =	ssub.s32 $0x0, s20;
	[sflag:s22] =	ssyncset.done $0x0  }
0xa0: {  	[sflag:s22] =	ssyncadd.s32 s4;
	_ =	sdelay $0x1  }
0xa1: {  	s23 =	simm.s32 $0x1B8B  }
0xa2: {  	_ =	swait.ge [sflag:s23], $0x1  }
0xa3: {  	[sflag:s23] =	ssyncset.done $0x0  }
0xa4: {  	s25 =	simm.s32 $0x1B8E;
	s24 =	sld [smem:$0x3FFE];
	[sflag:s23] =	ssyncadd.s32 $0xFFFFFFFF  }
0xa5: {  	s26 =	simm.s32 $execute0_lowered;
	[smem:$0x3FD2] =	sst s25  }
0xa6: {  	s5 =	sshll.u32 s26, $0x1;
	_ =	strace $0x80000046;
	[dreg:$0x1] =	wrdreg $0xFFFFFFFF  }
0xa7: {  	s28 =	simm.s32 $_size_execute0_lowered;
	s3 =	sadd.s32 s3, s5;
	[dreg:$0x0] =	wrdreg $0x0  }
0xa8: {  	s5 =	sshll.u32 s28, $0x1;
	[dreg:$0x2] =	wrdreg s3  }
0xa9: {  	[dreg:$0x3] =	wrdreg s5  }
0xaa: {  	[dreg:$0x4] =	wrdreg $0xC0  }
0xab: {  	_ =	task [dreg:s7], $0x5FFFF  }
0xac: {  	[dreg:$0x1] =	wrdreg $0xFFFFFFFF  }
0xad: {  	[dreg:$0x0] =	wrdreg $0x60  }
0xae: {  	[dreg:$0x2] =	wrdreg s2  }
0xaf: {  	[dreg:$0x3] =	wrdreg s24  }
0xb0: {  	[dreg:$0x4] =	wrdreg $0x9  }
0xb1: {  	_ =	task.clear_ibuf [dreg:s7], $0x5FFFF;
	_ =	strace $0x90000046  }
0xb2: {  	s29 =	simm.s32 $0x9;
	_ =	strace $0x80000048  }
0xb3: {  	_ =	swait.ge [sflag:s29], $0x1  }
0xb4: {  	[sflag:s29] =	ssyncadd.s32 $0xFFFFFFFF  }
0xb5: {  	_ =	strace $0x90000048  }
0xb6: {  	_ =	sfence  }
0xb7: {  	s30 =	sld [smem:$0x0];
	_ =	sdelay $0x2  }
0xb8: {  	s31 =	sshll.u32 s1, $0xD;
	s1 =	sshrl.u32 s1, $0x2  }
0xb9: {  	s3 =	sand.u32 $0x4000, s31;
	s1 =	sadd.s32 s1, s30  }
0xba: {  	s0 =	sor.u32 s3, s0;
	s1 =	sshll.u32 s1, $0x11  }
0xbb: {  	s0 =	sor.u32 s1, s0  }
0xbc: {  	s0 =	sadd.s32 $0x8F2B, s0  }
0xbd: {  	[sflag:s0] =	ssyncadd.remote.s32 $0x1  }
0xbe: {  	_ =	sfence.sel $0xFFFF  }
0xbf: {  	[dreg:$0x0] =	wrdreg $0xFFFFFFFF;
	(pc) =	sbr.abs _section_cstart, $3  }
0xc0: {  	[dreg:$0x1] =	wrdreg $0xFFFFFFFF  }
0xc1: {  	_ =	task.clear_ibuf [dreg:s7], $0x2FFFF;
	_ =	strace $0x9FFFFFFF  }
0xc2: {  	(tm) =	ssettm $0x7FFFFFFF  }
0xc3: {  	_ =	shalt  }
tec
execute0_lowered:
.L_overlay_start_1:
0x0: {  	(tag) =	ssettag $0x1  }
0x1: {  	s1 =	rddreg [dreg:$0x0]  }
0x2: {  	s4 =	rddreg [dreg:$0x1]  }
0x3: {  	s0 =	rddreg [dreg:$0x2];
	s5 =	srdreg.scid  }
0x4: {  	s3 =	simm.s32 $0x0;
	s2 =	stileid.u32;
	s10 =	simm.s32 $0x0  }
0x5: {  	s5 =	sand.u32 $0x1, s5;
	[smem:$0x7FF] =	sst s3;
	s6 =	sshll.u32 s2, $0xE  }
0x6: {  	s8 =	sshll.u32 s2, $0x12;
	s7 =	sshll.u32 s5, $0xD;
	_ =	strace $0x80000047  }
0x7: {  	s31 =	ssub.s32 $0x2, s5;
	s8 =	sadd.s32 s8, s4;
	s5 =	sshll.u32 s5, $0x11  }
0x8: {  	s6 =	sor.u32 s7, s6;
	s9 =	sshrl.u32 s31, $0x1;
	s5 =	sadd.s32 s5, s8  }
0x9: {  	s8 =	simm.s32 $0x80;
	s6 =	sshrl.u32 s6, $0x3;
	s7 =	ssub.s32 s31, s9  }
0xa: {  	s5 =	sadd.s32 $0xCC200, s5;
	s9 =	simm.s32 $0x1;
	s6 =	sadd.s32 s6, s4  }
0xb: {  	s4 =	smax.u32 s7, $0x1;
	s7 =	simm.s32 $0x2;
	s6 =	sadd.s32 $0xC4200, s6  }
.LBB2_1:
0xc: {  	s11 =	sadd.s32 $0x0, s6  }
0xd: {  	[tilespmem:s3], [sflag:$0x2] =	stream.linear.gather [hbm4b:s11+s3], $0x80, $0x38;
	[tilespmem:$0x4080] =	vst v63  }
0xe: {  	_ =	swait.ge [sflag:s7], $0x80  }
0xf: {  	[sflag:s7] =	ssyncset.done $0x0  }
0x10: {  	[sflag:s7] =	ssyncadd.s32 $0xFFFFFF80  }
0x11: {  	[tilespmem:s8], [sflag:$0x1] =	stream.indirect.gather [hbm4b:s1+s8], $0x80, s3, s8, $0xb8;
	[tilespmem:$0x4080] =	vst v63  }
0x12: {  	_ =	swait.ge [sflag:s9], $0x4000  }
0x13: {  	[sflag:s9] =	ssyncset.done $0x0  }
0x14: {  	[sflag:s9] =	ssyncadd.s32 $0xFFFFC000  }
0x15: {  	[hbm4b:s5+s3] =	stream.linear.scatter [tilespmem:s8], [sflag:$0x2], $0x4000, $0x38;
	[tilespmem:$0x4080] =	vst v63  }
0x16: {  	s12 =	simm.s32 $0x10;
	_ =	swait.ge [sflag:s7], $0x4000  }
0x17: {  	s13 =	simm.s32 $0x20;
	s11 =	sadd.s32 $0x800, s5;
	[sflag:s7] =	ssyncset.done $0x0  }
.LBB2_2:
0x18: {  	s14 =	sadd.s32 s12, s6  }
0x19: {  	[sflag:s7] =	ssyncadd.s32 $0xFFFFC000;
	s12 =	smov.u32 s13;
	s15 =	sadd.s32 $0x10, s13  }
0x1a: {  	[tilespmem:s3], [sflag:$0x2] =	stream.linear.gather [hbm4b:s14+s3], $0x80, $0x38;
	[tilespmem:$0x4080] =	vst v63  }
0x1b: {  	p0 =	sne.s32 s13, $0x3F0;
	_ =	swait.ge [sflag:s7], $0x80  }
0x1c: {  	[sflag:s7] =	ssyncset.done $0x0  }
0x1d: {  	[sflag:s7] =	ssyncadd.s32 $0xFFFFFF80  }
0x1e: {  	[tilespmem:s8], [sflag:$0x1] =	stream.indirect.gather [hbm4b:s1+s8], $0x80, s3, s8, $0xb8;
	[tilespmem:$0x4080] =	vst v63  }
0x1f: {  	_ =	swait.ge [sflag:s9], $0x4000  }
.Ltmp0:
0x20: {  	[sflag:s9] =	ssyncset.done $0x0;
	(pc) =	sbr.rel @p0 .LBB2_2-.Ltmp0, $4  }
0x21: {  	[sflag:s9] =	ssyncadd.s32 $0xFFFFC000  }
0x22: {  	[hbm4b:s11+s3] =	stream.linear.scatter [tilespmem:s8], [sflag:$0x2], $0x4000, $0x38;
	[tilespmem:$0x4080] =	vst v63  }
0x23: {  	_ =	swait.ge [sflag:s7], $0x4000  }
0x24: {  	s13 =	smov.u32 s15;
	s11 =	sadd.s32 $0x800, s11;
	[sflag:s7] =	ssyncset.done $0x0  }
0x25: {  	s12 =	sadd.s32 s12, s6;
	[sflag:s7] =	ssyncadd.s32 $0xFFFFC000  }
0x26: {  	[tilespmem:s3], [sflag:$0x2] =	stream.linear.gather [hbm4b:s12+s3], $0x80, $0x38;
	[tilespmem:$0x4080] =	vst v63  }
0x27: {  	_ =	swait.ge [sflag:s7], $0x80  }
0x28: {  	[sflag:s7] =	ssyncset.done $0x0  }
0x29: {  	[sflag:s7] =	ssyncadd.s32 $0xFFFFFF80  }
0x2a: {  	[tilespmem:s8], [sflag:$0x1] =	stream.indirect.gather [hbm4b:s1+s8], $0x80, s3, s8, $0xb8;
	[tilespmem:$0x4080] =	vst v63  }
0x2b: {  	s10 =	sadd.s32 $0x1, s10;
	_ =	swait.ge [sflag:s9], $0x4000  }
0x2c: {  	p0 =	sne.s32 s10, s4;
	[sflag:s9] =	ssyncset.done $0x0  }
.Ltmp1:
0x2d: {  	[sflag:s9] =	ssyncadd.s32 $0xFFFFC000;
	(pc) =	sbr.rel @p0 .LBB2_1-.Ltmp1, $4  }
0x2e: {  	[hbm4b:s11+s3] =	stream.linear.scatter [tilespmem:s8], [sflag:$0x2], $0x4000, $0x38;
	[tilespmem:$0x4080] =	vst v63  }
0x2f: {  	_ =	swait.ge [sflag:s7], $0x4000  }
0x30: {  	[sflag:s7] =	ssyncset.done $0x0  }
0x31: {  	[sflag:s7] =	ssyncadd.s32 $0xFFFFC000  }
0x32: {  	_ =	sfence.sel $0x180000  }
0x33: {  	[bflag:$0x0] =	sbarrier.arrive $0xFFFF  }
0x34: {  	p0 =	sne.s32 s2, $0x0;
	_ =	strace $0x90000047  }
0x35: {  	s0 =	sadd.s32 @!p0 $0x100000, s0;
	[bflag:$0x2] =	sbarrier.arrive $0xFFFF  }
0x36: {  	[sflag:s0] =	ssyncadd.tile.s32 @!p0 $0x1;
	_ =	shalt  }
.Lfunc_end2:
_tile_overlayer_lowered:
.L_overlay_start_2:
0x37: {  	(tag) =	ssettag $0x2  }
0x38: {  	s0 =	rddreg [dreg:$0x0];
	s2 =	stileid.u32  }
0x39: {  	s1 =	rddreg [dreg:$0x1];
	p0 =	sne.s32 s2, $0x0  }
0x3a: {  	s3 =	rddreg [dreg:$0x2];
	[bflag:$0x3] =	sbarrier.arrive $0xFFFF;
	s2 =	simm.s32 @!p0 $0x1C02  }
0x3b: {  	[timem:s3], [sflag:s2] =	dma.local @!p0 [hbm:s0], s1  }
0x3c: {  	s0 =	simm.s32 @!p0 $0x2  }
0x3d: {  	_ =	swait.ge @!p0 [sflag:s0], s1  }
0x3e: {  	s1 =	ssub.s32 @!p0 $0x0, s1;
	[sflag:s0] =	ssyncset.done @!p0 $0x0  }
0x3f: {  	[sflag:s0] =	ssyncadd.s32 @!p0 s1  }
0x40: {  	[bflag:$0x3] =	sbarrier.arrive $0xFFFF  }
0x41: {  	_ =	shalt  }

</sc_bundles>
